<compile_context>
chip_gen: v7x
topology: tpu7x:2x2x1
jax: 0.10.2.dev20260603
libtpu: 0.0.44.dev20260713+nightly
codegen_flags: <defaults>
</compile_context>

<pallas_src>
import functools

import jax
import jax.numpy as jnp
from jax import lax
from jax.experimental import pallas as pl
from jax.experimental.pallas import tpu as pltpu
from jax.experimental.pallas import tpu_sc as plsc

N = 10000
NPAD = 10240
D = 128
K = 128
NC = 2
NS = 16


def _z16():
    return jnp.zeros((16,), jnp.float32)


def _degrees_sc(ep, comb):
    et = ep // NS
    nch = et // K
    mesh = plsc.VectorSubcoreMesh(core_axis_name="c", subcore_axis_name="s")

    @functools.partial(
        pl.kernel,
        out_type=jax.ShapeDtypeStruct((NC * NPAD, D), jnp.float32),
        mesh=mesh,
        scratch_types=[
            pltpu.VMEM((K,), jnp.int32),
            pltpu.VMEM((K, D), jnp.float32),
            pltpu.VMEM((K, D), jnp.float32),
            pltpu.VMEM_SHARED((NPAD, D), jnp.float32),
        ],
    )
    def deg_kernel(comb_hbm, out_hbm, idxb, valb, zb, acc):
        c = lax.axis_index("c")
        s = lax.axis_index("s")
        lane0 = jnp.maximum(1.0 - lax.iota(jnp.int32, 16).astype(jnp.float32),
                            0.0)

        def fill(i, _):
            valb[i, pl.ds(0, 16)] = lane0
            for t in range(1, D // 16):
                valb[i, pl.ds(t * 16, 16)] = _z16()
            for t in range(D // 16):
                zb[i, pl.ds(t * 16, 16)] = _z16()
            return 0

        lax.fori_loop(0, K, fill, 0)
        zrows = NPAD // NS

        def zloop(t, _):
            pltpu.sync_copy(zb, acc.at[pl.ds(s * zrows + t * K, K)])
            return 0

        lax.fori_loop(0, zrows // K, zloop, 0)
        plsc.subcore_barrier()

        def chunk(ch, _):
            base = c * ep + s * et + ch * K
            pltpu.sync_copy(comb_hbm.at[pl.ds(base, K)], idxb)
            pltpu.sync_copy(valb, acc.at[idxb], add=True)
            return 0

        lax.fori_loop(0, nch, chunk, 0)
        plsc.subcore_barrier()
        pltpu.sync_copy(acc.at[pl.ds(s * zrows, zrows)],
                        out_hbm.at[pl.ds(c * NPAD + s * zrows, zrows)])

    return deg_kernel(comb)


def _scale_tc(feats2, dego, degi):
    B = 256
    nb = NPAD // B

    def body(f_ref, do_ref, di_ref, xs_ref, aux_ref, dis_ref):
        dos = lax.rsqrt(jnp.maximum(do_ref[:, 0:1], 1.0))
        dis = lax.rsqrt(jnp.maximum(di_ref[:, 0:1], 1.0))
        xs_ref[...] = f_ref[...] * dos
        lane = lax.broadcasted_iota(jnp.int32, (B, D), 1)
        aux_ref[...] = jnp.where(lane == 0, dos,
                                 jnp.where(lane == 1, dis, 0.0))
        dis_ref[...] = jnp.broadcast_to(dis, (B, D))

    return pl.pallas_call(
        body,
        grid=(2 * nb,),
        in_specs=[
            pl.BlockSpec((B, D), lambda i: (i, 0)),
            pl.BlockSpec((B, D), lambda i: (lax.rem(i, nb), 0)),
            pl.BlockSpec((B, D), lambda i: (NPAD // B + lax.rem(i, nb), 0)),
        ],
        out_specs=[
            pl.BlockSpec((B, D), lambda i: (i, 0)),
            pl.BlockSpec((B, D), lambda i: (lax.rem(i, nb), 0)),
            pl.BlockSpec((B, D), lambda i: (lax.rem(i, nb), 0)),
        ],
        out_shape=[
            jax.ShapeDtypeStruct((2 * NPAD, D), jnp.float32),
            jax.ShapeDtypeStruct((NPAD, D), jnp.float32),
            jax.ShapeDtypeStruct((NPAD, D), jnp.float32),
        ],
    )(feats2, dego, degi)


def _w_sc(ep, srcp, dstp, distab):
    et = ep // (NC * NS)
    nch = et // K
    mesh = plsc.VectorSubcoreMesh(core_axis_name="c", subcore_axis_name="s")

    @functools.partial(
        pl.kernel,
        out_type=jax.ShapeDtypeStruct((NC * NPAD, D), jnp.float32),
        mesh=mesh,
        scratch_types=[
            pltpu.VMEM((K,), jnp.int32),
            pltpu.VMEM((K,), jnp.int32),
            pltpu.VMEM((K, D), jnp.float32),
            pltpu.SemaphoreType.DMA,
            pltpu.VMEM_SHARED((NPAD, D), jnp.float32),
        ],
    )
    def w_kernel(src_hbm, dst_hbm, dis_hbm, out_hbm, sidx, gidx, rowsb, sem,
                 acc):
        c = lax.axis_index("c")
        s = lax.axis_index("s")

        def fill(i, _):
            for t in range(D // 16):
                rowsb[i, pl.ds(t * 16, 16)] = _z16()
            return 0

        lax.fori_loop(0, K, fill, 0)
        zrows = NPAD // NS

        def zloop(t, _):
            pltpu.sync_copy(rowsb, acc.at[pl.ds(s * zrows + t * K, K)])
            return 0

        lax.fori_loop(0, zrows // K, zloop, 0)
        plsc.subcore_barrier()

        def chunk(ch, _):
            base = c * (ep // NC) + s * et + ch * K
            pltpu.sync_copy(dst_hbm.at[pl.ds(base, K)], gidx)
            pltpu.sync_copy(src_hbm.at[pl.ds(base, K)], sidx)
            pltpu.async_copy(dis_hbm.at[gidx], rowsb, sem).wait()
            pltpu.sync_copy(rowsb, acc.at[sidx], add=True)
            return 0

        lax.fori_loop(0, nch, chunk, 0)
        plsc.subcore_barrier()
        pltpu.sync_copy(acc.at[pl.ds(s * zrows, zrows)],
                        out_hbm.at[pl.ds(c * NPAD + s * zrows, zrows)])

    return w_kernel(srcp, dstp, distab)


def _aggregate_sc(ep, xs, srcp, dstp):
    et = ep // NS
    nch = et // K
    mesh = plsc.VectorSubcoreMesh(core_axis_name="c", subcore_axis_name="s")

    @functools.partial(
        pl.kernel,
        out_type=jax.ShapeDtypeStruct((NC * NPAD, D), jnp.float32),
        mesh=mesh,
        scratch_types=[
            pltpu.VMEM((K,), jnp.int32),
            pltpu.VMEM((K,), jnp.int32),
            pltpu.VMEM((K,), jnp.int32),
            pltpu.VMEM((K,), jnp.int32),
            pltpu.VMEM((K, D), jnp.float32),
            pltpu.VMEM((K, D), jnp.float32),
            pltpu.SemaphoreType.DMA,
            pltpu.SemaphoreType.DMA,
            pltpu.VMEM_SHARED((NPAD, D), jnp.float32),
        ],
    )
    def agg_kernel(xs_hbm, src_hbm, dst_hbm, agg_hbm, sidx0, didx0, sidx1,
                   didx1, rows0, rows1, sem0, sem1, acc):
        c = lax.axis_index("c")
        s = lax.axis_index("s")
        off = c * NPAD
        sb = (sidx0, sidx1)
        db = (didx0, didx1)
        rb = (rows0, rows1)
        sm = (sem0, sem1)

        def fill(i, _):
            for t in range(D // 16):
                rows0[i, pl.ds(t * 16, 16)] = _z16()
            return 0

        lax.fori_loop(0, K, fill, 0)
        zrows = NPAD // NS

        def zloop(t, _):
            pltpu.sync_copy(rows0, acc.at[pl.ds(s * zrows + t * K, K)])
            return 0

        lax.fori_loop(0, zrows // K, zloop, 0)
        plsc.subcore_barrier()

        def chunk(m, _):
            cps = [None, None]
            for b in range(2):
                base = s * et + (m * 2 + b) * K
                pltpu.sync_copy(src_hbm.at[pl.ds(base, K)], sb[b])
                pltpu.sync_copy(dst_hbm.at[pl.ds(base, K)], db[b])
                for g in range(K // 16):
                    sl = pl.ds(g * 16, 16)
                    sb[b][sl] = sb[b][sl] + off
                cps[b] = pltpu.async_copy(xs_hbm.at[sb[b]], rb[b], sm[b])
            for b in range(2):
                cps[b].wait()
                pltpu.sync_copy(rb[b], acc.at[db[b]], add=True)
            return 0

        lax.fori_loop(0, nch // 2, chunk, 0)
        plsc.subcore_barrier()
        pltpu.sync_copy(acc.at[pl.ds(s * zrows, zrows)],
                        agg_hbm.at[pl.ds(c * NPAD + s * zrows, zrows)])

    return agg_kernel(xs, srcp, dstp)


def _reduce_tc(agg, aux, wpart, W1, b1r, W2, b2r, Wp, bpr):
    B = 512
    nb = NPAD // B
    nsteps = 2 * nb

    def body(a_ref, aux_ref, w1_ref, w2_ref, W1_ref, b1_ref, W2_ref, b2_ref,
             Wp_ref, bp_ref, out_ref, vacc):
        i = pl.program_id(0)
        inp = i // nb
        blk = lax.rem(i, nb)

        @pl.when(i == 0)
        def _():
            vacc[...] = jnp.zeros((8, D), jnp.float32)

        z = jnp.dot(a_ref[...], W1_ref[...], preferred_element_type=jnp.float32)
        dos = aux_ref[:, 0:1]
        dis = aux_ref[:, 1:2]
        rh = jnp.maximum(z * dis + b1_ref[...], 0.0)
        wcol = w1_ref[:, 0:1] + w2_ref[:, 0:1]
        rowid = lax.broadcasted_iota(jnp.int32, (B, 1), 0) + blk * B
        cc = jnp.where(rowid < N, wcol * dos, 0.0)
        part = jnp.sum(rh * cc, axis=0, keepdims=True)
        sl = pl.ds(inp, 1)
        vacc[sl, :] = vacc[sl, :] + part

        @pl.when(i == nsteps - 1)
        def _():
            u = jnp.sum(Wp_ref[...], axis=1, keepdims=True)
            q = jnp.dot(W2_ref[...], u, preferred_element_type=jnp.float32)
            base = (jnp.dot(b2_ref[...], u, preferred_element_type=jnp.float32)
                    * float(N)
                    + jnp.sum(bp_ref[...], keepdims=True).reshape(1, 1)
                    * float(N))
            s1 = jnp.dot(vacc[0:1, :], q, preferred_element_type=jnp.float32) + base
            s2 = jnp.dot(vacc[1:2, :], q, preferred_element_type=jnp.float32) + base
            l1 = jnp.maximum(s1, 0.0) - s1 + jnp.log1p(jnp.exp(-jnp.abs(s1)))
            l2 = jnp.maximum(s2, 0.0) + jnp.log1p(jnp.exp(-jnp.abs(s2)))
            out_ref[...] = 0.5 * (l1 + l2)

    return pl.pallas_call(
        body,
        grid=(nsteps,),
        in_specs=[
            pl.BlockSpec((B, D), lambda i: (i, 0)),
            pl.BlockSpec((B, D), lambda i: (lax.rem(i, nb), 0)),
            pl.BlockSpec((B, D), lambda i: (lax.rem(i, nb), 0)),
            pl.BlockSpec((B, D), lambda i: (NPAD // B + lax.rem(i, nb), 0)),
            pl.BlockSpec((D, D), lambda i: (0, 0)),
            pl.BlockSpec((1, D), lambda i: (0, 0)),
            pl.BlockSpec((D, D), lambda i: (0, 0)),
            pl.BlockSpec((1, D), lambda i: (0, 0)),
            pl.BlockSpec((D, D), lambda i: (0, 0)),
            pl.BlockSpec((1, D), lambda i: (0, 0)),
        ],
        out_specs=pl.BlockSpec((1, 1), lambda i: (0, 0)),
        out_shape=jax.ShapeDtypeStruct((1, 1), jnp.float32),
        scratch_shapes=[pltpu.VMEM((8, D), jnp.float32)],
    )(agg, aux, wpart, wpart, W1, b1r, W2, b2r, Wp, bpr)


def kernel(features, permuted_feature, edge_index, W1, b1, W2, b2, Wp, bp):
    E = edge_index.shape[1]
    EP = -(-E // (NC * NS * K)) * (NC * NS * K)

    pad = jnp.full((EP - E,), N, jnp.int32)
    srcp = jnp.concatenate([edge_index[0], pad])
    dstp = jnp.concatenate([edge_index[1], pad])
    comb = jnp.concatenate([srcp, dstp])

    degs = _degrees_sc(EP, comb)

    fp = jnp.zeros((2 * NPAD, D), jnp.float32)
    fp = lax.dynamic_update_slice(fp, features, (0, 0))
    fp = lax.dynamic_update_slice(fp, permuted_feature, (NPAD, 0))

    xs, aux, distab = _scale_tc(fp, degs, degs)
    wpart = _w_sc(EP, srcp, dstp, distab)
    agg = _aggregate_sc(EP, xs, srcp, dstp)

    loss = _reduce_tc(agg, aux, wpart, W1, b1.reshape(1, D), W2,
                      b2.reshape(1, D), Wp, bp.reshape(1, D))
    return loss[0, 0]

# --- scband reference (transcript-rebuilt; emitter-appended) ---
"""Pipeline reference for scband-ggd-1614907703322 (READ-ONLY COPY).

The authoritative reference and input builder live on the scoring server;
editing this copy changes nothing except your own understanding.
"""

import jax, jax.numpy as jnp
import numpy as np

N = 10000
E = 320000
D = 128
H = 128


def setup_inputs(seed: int = 0) -> dict:
    key = jax.random.key(seed)
    ks = jax.random.split(key, 8)
    sD = 1.0 / np.sqrt(D)
    sH = 1.0 / np.sqrt(H)
    return {
        "features": jax.random.normal(ks[0], (N, D), dtype=jnp.float32),
        "permuted_feature": jax.random.normal(ks[1], (N, D), dtype=jnp.float32),
        "edge_index": jax.random.randint(ks[2], (2, E), 0, N, dtype=jnp.int32),
        "W1": jax.random.normal(ks[3], (D, H), dtype=jnp.float32) * sD,
        "b1": jnp.zeros((H,), dtype=jnp.float32),
        "W2": jax.random.normal(ks[4], (H, H), dtype=jnp.float32) * sH,
        "b2": jnp.zeros((H,), dtype=jnp.float32),
        "Wp": jax.random.normal(ks[5], (H, H), dtype=jnp.float32) * sH,
        "bp": jnp.zeros((H,), dtype=jnp.float32),
    }


def _bce_with_logits_mean(x, y):
    # BCEWithLogitsLoss, numerically-stable formulation, mean reduction
    return jnp.mean(jnp.maximum(x, 0.0) - x * y + jnp.log1p(jnp.exp(-jnp.abs(x))))


def reference(features, permuted_feature, edge_index, W1, b1, W2, b2, Wp, bp):
    src = edge_index[0]
    dst = edge_index[1]
    ones_e = jnp.ones((E,), dtype=jnp.float32)
    deg_out = jax.ops.segment_sum(ones_e, src, num_segments=N)
    deg_in = jax.ops.segment_sum(ones_e, dst, num_segments=N)
    dos = jax.lax.rsqrt(jnp.clip(deg_out, 1.0))
    dis = jax.lax.rsqrt(jnp.clip(deg_in, 1.0))

    def conv(x, W, b):
        # D^{-1/2} A D^{-1/2} X W  (DGL GraphConv norm='both')
        h = (x * dos[:, None]) @ W
        agg = jax.ops.segment_sum(h[src], dst, num_segments=N)
        return agg * dis[:, None] + b

    def encoder(x):
        h = jax.nn.relu(conv(x, W1, b1))  # input layer, activation
        return conv(h, W2, b2)            # output layer (dropout=0.0)

    h1 = encoder(features)
    h2 = encoder(permuted_feature)
    # squeeze(0) is a no-op on [N, H] since N != 1
    sc1 = h1 @ Wp + bp
    sc2 = h2 @ Wp + bp
    s1 = sc1.sum(1)[None, :].sum(1)[None, :]  # [1, 1]
    s2 = sc2.sum(1)[None, :].sum(1)[None, :]  # [1, 1]
    logits = jnp.concatenate((s1, s2), axis=1)  # [1, 2]
    lbl = jnp.concatenate(
        (jnp.ones((1, 1), jnp.float32), jnp.zeros((1, 1), jnp.float32)), axis=1
    )
    return _bce_with_logits_mean(logits, lbl)

if __name__ == "__main__":
    import jax
    _d = setup_inputs()
    print(jax.jit(kernel)(*tuple(_d.values())))

</pallas_src>

<mosaic_0001>
#map = affine_map<(d0, d1) -> (0, 0)>
#map1 = affine_map<(d0, d1) -> (0)>
module attributes {stable_mosaic.version = 14 : i64} {
  func.func @agg_kernel(%arg0: i32, %arg1: i32, %arg2: memref<20480x128xf32, #tpu.memory_space<hbm>>, %arg3: memref<323584xi32, #tpu.memory_space<hbm>>, %arg4: memref<323584xi32, #tpu.memory_space<hbm>>, %arg5: memref<20480x128xf32, #tpu.memory_space<hbm>>, %arg6: memref<128xi32, #tpu.memory_space<vmem>>, %arg7: memref<128xi32, #tpu.memory_space<vmem>>, %arg8: memref<128xi32, #tpu.memory_space<vmem>>, %arg9: memref<128xi32, #tpu.memory_space<vmem>>, %arg10: memref<128x128xf32, #tpu.memory_space<vmem>>, %arg11: memref<128x128xf32, #tpu.memory_space<vmem>>, %arg12: memref<!tpu.dma_semaphore, #tpu.memory_space<semaphore_mem>>, %arg13: memref<!tpu.dma_semaphore, #tpu.memory_space<semaphore_mem>>, %arg14: memref<10240x128xf32, #tpu.memory_space<vmem_shared>>) attributes {dimension_semantics = [#tpu.dimension_semantics<core_parallel>, #tpu.dimension_semantics<subcore_parallel>], iteration_bounds = array<i64: 2, 16>, scalar_prefetch = 0 : i64, scratch_operands = 9 : i64, tpu.core_type = #tpu.core_type<sc_vector_subcore>, window_params = [{transform_indices = #map}, {transform_indices = #map1}, {transform_indices = #map1}, {transform_indices = #map}]} {
    %mul3A = arith.constant 10240 : i32
    %mul3A_0 = arith.muli %arg0, %mul3A : i32
    %scan3A = arith.constant 0 : i32
    %scan3A_1 = arith.constant 0 : i32
    %scan3A_2 = arith.constant 128 : i32
    %scan3A_3 = arith.addi %scan3A_1, %scan3A_2 : i32
    %scan3A_4 = arith.constant 1 : i32
    %scan3A_5 = scf.for %scan3A_28 = %scan3A_1 to %scan3A_3 step %scan3A_4 iter_args(%scan3A_29 = %scan3A) -> (i32)  : i32 {
      %broadcast_in_dim3A = arith.constant 0.000000e+00 : f32
      %broadcast_in_dim3A_30 = vector.broadcast %broadcast_in_dim3A : f32 to vector<16xf32>
      %swap3A = arith.index_cast %scan3A_28 : i32 to index
      %swap3A_31 = arith.constant 0 : index
      %swap3A_32 = tpu.vector_load %arg10[%swap3A, %swap3A_31] {strides = array<i32>} : memref<128x128xf32, #tpu.memory_space<vmem>>, vector<1x16xf32>,
      %swap3A_33 = vector.shape_cast %swap3A_32 : vector<1x16xf32> to vector<16xf32>
      %swap3A_34 = vector.shape_cast %broadcast_in_dim3A_30 : vector<16xf32> to vector<1x16xf32>
      tpu.vector_store %arg10[%swap3A, %swap3A_31], %swap3A_34 {strides = array<i32>} : memref<128x128xf32, #tpu.memory_space<vmem>>, vector<1x16xf32>,
      %broadcast_in_dim3A_35 = arith.constant 0.000000e+00 : f32
      %broadcast_in_dim3A_36 = vector.broadcast %broadcast_in_dim3A_35 : f32 to vector<16xf32>
      %swap3A_37 = arith.index_cast %scan3A_28 : i32 to index
      %swap3A_38 = arith.constant 16 : index
      %swap3A_39 = tpu.vector_load %arg10[%swap3A_37, %swap3A_38] {strides = array<i32>} : memref<128x128xf32, #tpu.memory_space<vmem>>, vector<1x16xf32>,
      %swap3A_40 = vector.shape_cast %swap3A_39 : vector<1x16xf32> to vector<16xf32>
      %swap3A_41 = vector.shape_cast %broadcast_in_dim3A_36 : vector<16xf32> to vector<1x16xf32>
      tpu.vector_store %arg10[%swap3A_37, %swap3A_38], %swap3A_41 {strides = array<i32>} : memref<128x128xf32, #tpu.memory_space<vmem>>, vector<1x16xf32>,
      %broadcast_in_dim3A_42 = arith.constant 0.000000e+00 : f32
      %broadcast_in_dim3A_43 = vector.broadcast %broadcast_in_dim3A_42 : f32 to vector<16xf32>
      %swap3A_44 = arith.index_cast %scan3A_28 : i32 to index
      %swap3A_45 = arith.constant 32 : index
      %swap3A_46 = tpu.vector_load %arg10[%swap3A_44, %swap3A_45] {strides = array<i32>} : memref<128x128xf32, #tpu.memory_space<vmem>>, vector<1x16xf32>,
      %swap3A_47 = vector.shape_cast %swap3A_46 : vector<1x16xf32> to vector<16xf32>
      %swap3A_48 = vector.shape_cast %broadcast_in_dim3A_43 : vector<16xf32> to vector<1x16xf32>
      tpu.vector_store %arg10[%swap3A_44, %swap3A_45], %swap3A_48 {strides = array<i32>} : memref<128x128xf32, #tpu.memory_space<vmem>>, vector<1x16xf32>,
      %broadcast_in_dim3A_49 = arith.constant 0.000000e+00 : f32
      %broadcast_in_dim3A_50 = vector.broadcast %broadcast_in_dim3A_49 : f32 to vector<16xf32>
      %swap3A_51 = arith.index_cast %scan3A_28 : i32 to index
      %swap3A_52 = arith.constant 48 : index
      %swap3A_53 = tpu.vector_load %arg10[%swap3A_51, %swap3A_52] {strides = array<i32>} : memref<128x128xf32, #tpu.memory_space<vmem>>, vector<1x16xf32>,
      %swap3A_54 = vector.shape_cast %swap3A_53 : vector<1x16xf32> to vector<16xf32>
      %swap3A_55 = vector.shape_cast %broadcast_in_dim3A_50 : vector<16xf32> to vector<1x16xf32>
      tpu.vector_store %arg10[%swap3A_51, %swap3A_52], %swap3A_55 {strides = array<i32>} : memref<128x128xf32, #tpu.memory_space<vmem>>, vector<1x16xf32>,
      %broadcast_in_dim3A_56 = arith.constant 0.000000e+00 : f32
      %broadcast_in_dim3A_57 = vector.broadcast %broadcast_in_dim3A_56 : f32 to vector<16xf32>
      %swap3A_58 = arith.index_cast %scan3A_28 : i32 to index
      %swap3A_59 = arith.constant 64 : index
      %swap3A_60 = tpu.vector_load %arg10[%swap3A_58, %swap3A_59] {strides = array<i32>} : memref<128x128xf32, #tpu.memory_space<vmem>>, vector<1x16xf32>,
      %swap3A_61 = vector.shape_cast %swap3A_60 : vector<1x16xf32> to vector<16xf32>
      %swap3A_62 = vector.shape_cast %broadcast_in_dim3A_57 : vector<16xf32> to vector<1x16xf32>
      tpu.vector_store %arg10[%swap3A_58, %swap3A_59], %swap3A_62 {strides = array<i32>} : memref<128x128xf32, #tpu.memory_space<vmem>>, vector<1x16xf32>,
      %broadcast_in_dim3A_63 = arith.constant 0.000000e+00 : f32
      %broadcast_in_dim3A_64 = vector.broadcast %broadcast_in_dim3A_63 : f32 to vector<16xf32>
      %swap3A_65 = arith.index_cast %scan3A_28 : i32 to index
      %swap3A_66 = arith.constant 80 : index
      %swap3A_67 = tpu.vector_load %arg10[%swap3A_65, %swap3A_66] {strides = array<i32>} : memref<128x128xf32, #tpu.memory_space<vmem>>, vector<1x16xf32>,
      %swap3A_68 = vector.shape_cast %swap3A_67 : vector<1x16xf32> to vector<16xf32>
      %swap3A_69 = vector.shape_cast %broadcast_in_dim3A_64 : vector<16xf32> to vector<1x16xf32>
      tpu.vector_store %arg10[%swap3A_65, %swap3A_66], %swap3A_69 {strides = array<i32>} : memref<128x128xf32, #tpu.memory_space<vmem>>, vector<1x16xf32>,
      %broadcast_in_dim3A_70 = arith.constant 0.000000e+00 : f32
      %broadcast_in_dim3A_71 = vector.broadcast %broadcast_in_dim3A_70 : f32 to vector<16xf32>
      %swap3A_72 = arith.index_cast %scan3A_28 : i32 to index
      %swap3A_73 = arith.constant 96 : index
      %swap3A_74 = tpu.vector_load %arg10[%swap3A_72, %swap3A_73] {strides = array<i32>} : memref<128x128xf32, #tpu.memory_space<vmem>>, vector<1x16xf32>,
      %swap3A_75 = vector.shape_cast %swap3A_74 : vector<1x16xf32> to vector<16xf32>
      %swap3A_76 = vector.shape_cast %broadcast_in_dim3A_71 : vector<16xf32> to vector<1x16xf32>
      tpu.vector_store %arg10[%swap3A_72, %swap3A_73], %swap3A_76 {strides = array<i32>} : memref<128x128xf32, #tpu.memory_space<vmem>>, vector<1x16xf32>,
      %broadcast_in_dim3A_77 = arith.constant 0.000000e+00 : f32
      %broadcast_in_dim3A_78 = vector.broadcast %broadcast_in_dim3A_77 : f32 to vector<16xf32>
      %swap3A_79 = arith.index_cast %scan3A_28 : i32 to index
      %swap3A_80 = arith.constant 112 : index
      %swap3A_81 = tpu.vector_load %arg10[%swap3A_79, %swap3A_80] {strides = array<i32>} : memref<128x128xf32, #tpu.memory_space<vmem>>, vector<1x16xf32>,
      %swap3A_82 = vector.shape_cast %swap3A_81 : vector<1x16xf32> to vector<16xf32>
      %swap3A_83 = vector.shape_cast %broadcast_in_dim3A_78 : vector<16xf32> to vector<1x16xf32>
      tpu.vector_store %arg10[%swap3A_79, %swap3A_80], %swap3A_83 {strides = array<i32>} : memref<128x128xf32, #tpu.memory_space<vmem>>, vector<1x16xf32>,
      %scan3A_84 = arith.constant 0 : i32
      scf.yield %scan3A_84 : i32
    }
    %scan3A_6 = arith.constant 128 : i32
    %scan3A_7 = arith.constant 0 : i32
    %scan3A_8 = arith.constant 0 : i32
    %scan3A_9 = arith.constant 5 : i32
    %scan3A_10 = arith.addi %scan3A_8, %scan3A_9 : i32
    %scan3A_11 = arith.constant 1 : i32
    %scan3A_12 = scf.for %scan3A_28 = %scan3A_8 to %scan3A_10 step %scan3A_11 iter_args(%scan3A_29 = %scan3A_7) -> (i32)  : i32 {
      %mul3A_30 = arith.constant 640 : i32
      %mul3A_31 = arith.muli %arg1, %mul3A_30 : i32
      %mul3A_32 = arith.constant 128 : i32
      %mul3A_33 = arith.muli %scan3A_28, %mul3A_32 : i32
      %add3A_34 = arith.addi %mul3A_31, %mul3A_33 : i32
      "tpu.region"() ({
        %run_scoped3A = tpu.sem_alloc : memref<!tpu.dma_semaphore, #tpu.memory_space<semaphore_mem>>
        %dma_start3A = arith.constant 0 : i32
        %dma_start3A_36 = tpu.memref_slice %arg14[%add3A_34, %dma_start3A] : memref<10240x128xf32, #tpu.memory_space<vmem_shared>> -> memref<128x128xf32, #tpu.memory_space<vmem_shared>>
        %dma_start3A_37 = arith.constant 0 : i32
        %dma_start3A_38 = tpu.memref_slice %arg14[%add3A_34, %dma_start3A_37] : memref<10240x128xf32, #tpu.memory_space<vmem_shared>> -> memref<128x128xf32, #tpu.memory_space<vmem_shared>>
        tpu.enqueue_dma source(%arg10 : memref<128x128xf32, #tpu.memory_space<vmem>>) target(%dma_start3A_38 : memref<128x128xf32, #tpu.memory_space<vmem_shared>>) target_semaphore(%run_scoped3A : memref<!tpu.dma_semaphore, #tpu.memory_space<semaphore_mem>>)
        %dma_wait3A = arith.constant 0 : i32
        %dma_wait3A_39 = tpu.memref_slice %arg14[%add3A_34, %dma_wait3A] : memref<10240x128xf32, #tpu.memory_space<vmem_shared>> -> memref<128x128xf32, #tpu.memory_space<vmem_shared>>
        %dma_wait3A_40 = arith.constant 0 : i32
        %dma_wait3A_41 = tpu.memref_slice %arg14[%add3A_34, %dma_wait3A_40] : memref<10240x128xf32, #tpu.memory_space<vmem_shared>> -> memref<128x128xf32, #tpu.memory_space<vmem_shared>>
        tpu.wait_dma2 semaphore(%run_scoped3A : memref<!tpu.dma_semaphore, #tpu.memory_space<semaphore_mem>>) src(%arg10 : memref<128x128xf32, #tpu.memory_space<vmem>>) dst(%dma_wait3A_41 : memref<128x128xf32, #tpu.memory_space<vmem_shared>>)
        tpu.yield
      }) : () -> ()
      %scan3A_35 = arith.constant 0 : i32
      scf.yield %scan3A_35 : i32
    }
    %scan3A_13 = arith.constant 5 : i32
    %barrier3A = arith.constant 0 : index
    tpu.barrier barrier_id(%barrier3A)
    %scan3A_14 = arith.constant 0 : i32
    %scan3A_15 = arith.constant 0 : i32
    %scan3A_16 = arith.constant 79 : i32
    %scan3A_17 = arith.addi %scan3A_15, %scan3A_16 : i32
    %scan3A_18 = arith.constant 1 : i32
    %scan3A_19 = scf.for %scan3A_28 = %scan3A_15 to %scan3A_17 step %scan3A_18 iter_args(%scan3A_29 = %scan3A_14) -> (i32)  : i32 {
      %mul3A_30 = arith.constant 20224 : i32
      %mul3A_31 = arith.muli %arg1, %mul3A_30 : i32
      %mul3A_32 = arith.constant 2 : i32
      %mul3A_33 = arith.muli %scan3A_28, %mul3A_32 : i32
      %add3A_34 = arith.constant 0 : i32
      %add3A_35 = arith.addi %mul3A_33, %add3A_34 : i32
      %mul3A_36 = arith.constant 128 : i32
      %mul3A_37 = arith.muli %add3A_35, %mul3A_36 : i32
      %add3A_38 = arith.addi %mul3A_31, %mul3A_37 : i32
      "tpu.region"() ({
        %run_scoped3A = tpu.sem_alloc : memref<!tpu.dma_semaphore, #tpu.memory_space<semaphore_mem>>
        %dma_start3A_201 = tpu.memref_slice %arg3[%add3A_38] : memref<323584xi32, #tpu.memory_space<hbm>> -> memref<128xi32, #tpu.memory_space<hbm>>
        %dma_start3A_202 = tpu.memref_slice %arg3[%add3A_38] : memref<323584xi32, #tpu.memory_space<hbm>> -> memref<128xi32, #tpu.memory_space<hbm>>
        tpu.enqueue_dma source(%dma_start3A_202 : memref<128xi32, #tpu.memory_space<hbm>>) target(%arg6 : memref<128xi32, #tpu.memory_space<vmem>>) target_semaphore(%run_scoped3A : memref<!tpu.dma_semaphore, #tpu.memory_space<semaphore_mem>>)
        %dma_wait3A_203 = tpu.memref_slice %arg3[%add3A_38] : memref<323584xi32, #tpu.memory_space<hbm>> -> memref<128xi32, #tpu.memory_space<hbm>>
        %dma_wait3A_204 = tpu.memref_slice %arg3[%add3A_38] : memref<323584xi32, #tpu.memory_space<hbm>> -> memref<128xi32, #tpu.memory_space<hbm>>
        tpu.wait_dma2 semaphore(%run_scoped3A : memref<!tpu.dma_semaphore, #tpu.memory_space<semaphore_mem>>) src(%dma_wait3A_204 : memref<128xi32, #tpu.memory_space<hbm>>) dst(%arg6 : memref<128xi32, #tpu.memory_space<vmem>>)
        tpu.yield
      }) : () -> ()
      "tpu.region"() ({
        %run_scoped3A = tpu.sem_alloc : memref<!tpu.dma_semaphore, #tpu.memory_space<semaphore_mem>>
        %dma_start3A_201 = tpu.memref_slice %arg4[%add3A_38] : memref<323584xi32, #tpu.memory_space<hbm>> -> memref<128xi32, #tpu.memory_space<hbm>>
        %dma_start3A_202 = tpu.memref_slice %arg4[%add3A_38] : memref<323584xi32, #tpu.memory_space<hbm>> -> memref<128xi32, #tpu.memory_space<hbm>>
        tpu.enqueue_dma source(%dma_start3A_202 : memref<128xi32, #tpu.memory_space<hbm>>) target(%arg7 : memref<128xi32, #tpu.memory_space<vmem>>) target_semaphore(%run_scoped3A : memref<!tpu.dma_semaphore, #tpu.memory_space<semaphore_mem>>)
        %dma_wait3A_203 = tpu.memref_slice %arg4[%add3A_38] : memref<323584xi32, #tpu.memory_space<hbm>> -> memref<128xi32, #tpu.memory_space<hbm>>
        %dma_wait3A_204 = tpu.memref_slice %arg4[%add3A_38] : memref<323584xi32, #tpu.memory_space<hbm>> -> memref<128xi32, #tpu.memory_space<hbm>>
        tpu.wait_dma2 semaphore(%run_scoped3A : memref<!tpu.dma_semaphore, #tpu.memory_space<semaphore_mem>>) src(%dma_wait3A_204 : memref<128xi32, #tpu.memory_space<hbm>>) dst(%arg7 : memref<128xi32, #tpu.memory_space<vmem>>)
        tpu.yield
      }) : () -> ()
      %get3A = arith.constant 0 : index
      %get3A_39 = tpu.vector_load %arg6[%get3A] {strides = array<i32>} : memref<128xi32, #tpu.memory_space<vmem>>, vector<16xi32>,
      %get3A_40 = vector.shape_cast %get3A_39 : vector<16xi32> to vector<16xi32>
      %add3A_41 = vector.broadcast %mul3A_0 : i32 to vector<16xi32>
      %add3A_42 = arith.addi %get3A_40, %add3A_41 : vector<16xi32>
      %swap3A = arith.constant 0 : index
      %swap3A_43 = tpu.vector_load %arg6[%swap3A] {strides = array<i32>} : memref<128xi32, #tpu.memory_space<vmem>>, vector<16xi32>,
      %swap3A_44 = vector.shape_cast %swap3A_43 : vector<16xi32> to vector<16xi32>
      %swap3A_45 = vector.shape_cast %add3A_42 : vector<16xi32> to vector<16xi32>
      tpu.vector_store %arg6[%swap3A], %swap3A_45 {strides = array<i32>} : memref<128xi32, #tpu.memory_space<vmem>>, vector<16xi32>,
      %get3A_46 = arith.constant 16 : index
      %get3A_47 = tpu.vector_load %arg6[%get3A_46] {strides = array<i32>} : memref<128xi32, #tpu.memory_space<vmem>>, vector<16xi32>,
      %get3A_48 = vector.shape_cast %get3A_47 : vector<16xi32> to vector<16xi32>
      %add3A_49 = vector.broadcast %mul3A_0 : i32 to vector<16xi32>
      %add3A_50 = arith.addi %get3A_48, %add3A_49 : vector<16xi32>
      %swap3A_51 = arith.constant 16 : index
      %swap3A_52 = tpu.vector_load %arg6[%swap3A_51] {strides = array<i32>} : memref<128xi32, #tpu.memory_space<vmem>>, vector<16xi32>,
      %swap3A_53 = vector.shape_cast %swap3A_52 : vector<16xi32> to vector<16xi32>
      %swap3A_54 = vector.shape_cast %add3A_50 : vector<16xi32> to vector<16xi32>
      tpu.vector_store %arg6[%swap3A_51], %swap3A_54 {strides = array<i32>} : memref<128xi32, #tpu.memory_space<vmem>>, vector<16xi32>,
      %get3A_55 = arith.constant 32 : index
      %get3A_56 = tpu.vector_load %arg6[%get3A_55] {strides = array<i32>} : memref<128xi32, #tpu.memory_space<vmem>>, vector<16xi32>,
      %get3A_57 = vector.shape_cast %get3A_56 : vector<16xi32> to vector<16xi32>
      %add3A_58 = vector.broadcast %mul3A_0 : i32 to vector<16xi32>
      %add3A_59 = arith.addi %get3A_57, %add3A_58 : vector<16xi32>
      %swap3A_60 = arith.constant 32 : index
      %swap3A_61 = tpu.vector_load %arg6[%swap3A_60] {strides = array<i32>} : memref<128xi32, #tpu.memory_space<vmem>>, vector<16xi32>,
      %swap3A_62 = vector.shape_cast %swap3A_61 : vector<16xi32> to vector<16xi32>
      %swap3A_63 = vector.shape_cast %add3A_59 : vector<16xi32> to vector<16xi32>
      tpu.vector_store %arg6[%swap3A_60], %swap3A_63 {strides = array<i32>} : memref<128xi32, #tpu.memory_space<vmem>>, vector<16xi32>,
      %get3A_64 = arith.constant 48 : index
      %get3A_65 = tpu.vector_load %arg6[%get3A_64] {strides = array<i32>} : memref<128xi32, #tpu.memory_space<vmem>>, vector<16xi32>,
      %get3A_66 = vector.shape_cast %get3A_65 : vector<16xi32> to vector<16xi32>
      %add3A_67 = vector.broadcast %mul3A_0 : i32 to vector<16xi32>
      %add3A_68 = arith.addi %get3A_66, %add3A_67 : vector<16xi32>
      %swap3A_69 = arith.constant 48 : index
      %swap3A_70 = tpu.vector_load %arg6[%swap3A_69] {strides = array<i32>} : memref<128xi32, #tpu.memory_space<vmem>>, vector<16xi32>,
      %swap3A_71 = vector.shape_cast %swap3A_70 : vector<16xi32> to vector<16xi32>
      %swap3A_72 = vector.shape_cast %add3A_68 : vector<16xi32> to vector<16xi32>
      tpu.vector_store %arg6[%swap3A_69], %swap3A_72 {strides = array<i32>} : memref<128xi32, #tpu.memory_space<vmem>>, vector<16xi32>,
      %get3A_73 = arith.constant 64 : index
      %get3A_74 = tpu.vector_load %arg6[%get3A_73] {strides = array<i32>} : memref<128xi32, #tpu.memory_space<vmem>>, vector<16xi32>,
      %get3A_75 = vector.shape_cast %get3A_74 : vector<16xi32> to vector<16xi32>
      %add3A_76 = vector.broadcast %mul3A_0 : i32 to vector<16xi32>
      %add3A_77 = arith.addi %get3A_75, %add3A_76 : vector<16xi32>
      %swap3A_78 = arith.constant 64 : index
      %swap3A_79 = tpu.vector_load %arg6[%swap3A_78] {strides = array<i32>} : memref<128xi32, #tpu.memory_space<vmem>>, vector<16xi32>,
      %swap3A_80 = vector.shape_cast %swap3A_79 : vector<16xi32> to vector<16xi32>
      %swap3A_81 = vector.shape_cast %add3A_77 : vector<16xi32> to vector<16xi32>
      tpu.vector_store %arg6[%swap3A_78], %swap3A_81 {strides = array<i32>} : memref<128xi32, #tpu.memory_space<vmem>>, vector<16xi32>,
      %get3A_82 = arith.constant 80 : index
      %get3A_83 = tpu.vector_load %arg6[%get3A_82] {strides = array<i32>} : memref<128xi32, #tpu.memory_space<vmem>>, vector<16xi32>,
      %get3A_84 = vector.shape_cast %get3A_83 : vector<16xi32> to vector<16xi32>
      %add3A_85 = vector.broadcast %mul3A_0 : i32 to vector<16xi32>
      %add3A_86 = arith.addi %get3A_84, %add3A_85 : vector<16xi32>
      %swap3A_87 = arith.constant 80 : index
      %swap3A_88 = tpu.vector_load %arg6[%swap3A_87] {strides = array<i32>} : memref<128xi32, #tpu.memory_space<vmem>>, vector<16xi32>,
      %swap3A_89 = vector.shape_cast %swap3A_88 : vector<16xi32> to vector<16xi32>
      %swap3A_90 = vector.shape_cast %add3A_86 : vector<16xi32> to vector<16xi32>
      tpu.vector_store %arg6[%swap3A_87], %swap3A_90 {strides = array<i32>} : memref<128xi32, #tpu.memory_space<vmem>>, vector<16xi32>,
      %get3A_91 = arith.constant 96 : index
      %get3A_92 = tpu.vector_load %arg6[%get3A_91] {strides = array<i32>} : memref<128xi32, #tpu.memory_space<vmem>>, vector<16xi32>,
      %get3A_93 = vector.shape_cast %get3A_92 : vector<16xi32> to vector<16xi32>
      %add3A_94 = vector.broadcast %mul3A_0 : i32 to vector<16xi32>
      %add3A_95 = arith.addi %get3A_93, %add3A_94 : vector<16xi32>
      %swap3A_96 = arith.constant 96 : index
      %swap3A_97 = tpu.vector_load %arg6[%swap3A_96] {strides = array<i32>} : memref<128xi32, #tpu.memory_space<vmem>>, vector<16xi32>,
      %swap3A_98 = vector.shape_cast %swap3A_97 : vector<16xi32> to vector<16xi32>
      %swap3A_99 = vector.shape_cast %add3A_95 : vector<16xi32> to vector<16xi32>
      tpu.vector_store %arg6[%swap3A_96], %swap3A_99 {strides = array<i32>} : memref<128xi32, #tpu.memory_space<vmem>>, vector<16xi32>,
      %get3A_100 = arith.constant 112 : index
      %get3A_101 = tpu.vector_load %arg6[%get3A_100] {strides = array<i32>} : memref<128xi32, #tpu.memory_space<vmem>>, vector<16xi32>,
      %get3A_102 = vector.shape_cast %get3A_101 : vector<16xi32> to vector<16xi32>
      %add3A_103 = vector.broadcast %mul3A_0 : i32 to vector<16xi32>
      %add3A_104 = arith.addi %get3A_102, %add3A_103 : vector<16xi32>
      %swap3A_105 = arith.constant 112 : index
      %swap3A_106 = tpu.vector_load %arg6[%swap3A_105] {strides = array<i32>} : memref<128xi32, #tpu.memory_space<vmem>>, vector<16xi32>,
      %swap3A_107 = vector.shape_cast %swap3A_106 : vector<16xi32> to vector<16xi32>
      %swap3A_108 = vector.shape_cast %add3A_104 : vector<16xi32> to vector<16xi32>
      tpu.vector_store %arg6[%swap3A_105], %swap3A_108 {strides = array<i32>} : memref<128xi32, #tpu.memory_space<vmem>>, vector<16xi32>,
      %dma_start3A = arith.constant 0 : i32
      %dma_start3A_109 = arith.constant 0 : i32
      %dma_start3A_110 = tpu.memref_slice %arg2[%dma_start3A, %dma_start3A_109] : memref<20480x128xf32, #tpu.memory_space<hbm>> -> memref<20480x128xf32, #tpu.memory_space<hbm>>
      tpu.enqueue_indirect_dma source(%dma_start3A_110 : memref<20480x128xf32, #tpu.memory_space<hbm>>) target(%arg10 : memref<128x128xf32, #tpu.memory_space<vmem>>) offsets(%arg6 : memref<128xi32, #tpu.memory_space<vmem>>) semaphore(%arg12 : memref<!tpu.dma_semaphore, #tpu.memory_space<semaphore_mem>>)
      %mul3A_111 = arith.constant 20224 : i32
      %mul3A_112 = arith.muli %arg1, %mul3A_111 : i32
      %mul3A_113 = arith.constant 2 : i32
      %mul3A_114 = arith.muli %scan3A_28, %mul3A_113 : i32
      %add3A_115 = arith.constant 1 : i32
      %add3A_116 = arith.addi %mul3A_114, %add3A_115 : i32
      %mul3A_117 = arith.constant 128 : i32
      %mul3A_118 = arith.muli %add3A_116, %mul3A_117 : i32
      %add3A_119 = arith.addi %mul3A_112, %mul3A_118 : i32
      "tpu.region"() ({
        %run_scoped3A = tpu.sem_alloc : memref<!tpu.dma_semaphore, #tpu.memory_space<semaphore_mem>>
        %dma_start3A_201 = tpu.memref_slice %arg3[%add3A_119] : memref<323584xi32, #tpu.memory_space<hbm>> -> memref<128xi32, #tpu.memory_space<hbm>>
        %dma_start3A_202 = tpu.memref_slice %arg3[%add3A_119] : memref<323584xi32, #tpu.memory_space<hbm>> -> memref<128xi32, #tpu.memory_space<hbm>>
        tpu.enqueue_dma source(%dma_start3A_202 : memref<128xi32, #tpu.memory_space<hbm>>) target(%arg8 : memref<128xi32, #tpu.memory_space<vmem>>) target_semaphore(%run_scoped3A : memref<!tpu.dma_semaphore, #tpu.memory_space<semaphore_mem>>)
        %dma_wait3A_203 = tpu.memref_slice %arg3[%add3A_119] : memref<323584xi32, #tpu.memory_space<hbm>> -> memref<128xi32, #tpu.memory_space<hbm>>
        %dma_wait3A_204 = tpu.memref_slice %arg3[%add3A_119] : memref<323584xi32, #tpu.memory_space<hbm>> -> memref<128xi32, #tpu.memory_space<hbm>>
        tpu.wait_dma2 semaphore(%run_scoped3A : memref<!tpu.dma_semaphore, #tpu.memory_space<semaphore_mem>>) src(%dma_wait3A_204 : memref<128xi32, #tpu.memory_space<hbm>>) dst(%arg8 : memref<128xi32, #tpu.memory_space<vmem>>)
        tpu.yield
      }) : () -> ()
      "tpu.region"() ({
        %run_scoped3A = tpu.sem_alloc : memref<!tpu.dma_semaphore, #tpu.memory_space<semaphore_mem>>
        %dma_start3A_201 = tpu.memref_slice %arg4[%add3A_119] : memref<323584xi32, #tpu.memory_space<hbm>> -> memref<128xi32, #tpu.memory_space<hbm>>
        %dma_start3A_202 = tpu.memref_slice %arg4[%add3A_119] : memref<323584xi32, #tpu.memory_space<hbm>> -> memref<128xi32, #tpu.memory_space<hbm>>
        tpu.enqueue_dma source(%dma_start3A_202 : memref<128xi32, #tpu.memory_space<hbm>>) target(%arg9 : memref<128xi32, #tpu.memory_space<vmem>>) target_semaphore(%run_scoped3A : memref<!tpu.dma_semaphore, #tpu.memory_space<semaphore_mem>>)
        %dma_wait3A_203 = tpu.memref_slice %arg4[%add3A_119] : memref<323584xi32, #tpu.memory_space<hbm>> -> memref<128xi32, #tpu.memory_space<hbm>>
        %dma_wait3A_204 = tpu.memref_slice %arg4[%add3A_119] : memref<323584xi32, #tpu.memory_space<hbm>> -> memref<128xi32, #tpu.memory_space<hbm>>
        tpu.wait_dma2 semaphore(%run_scoped3A : memref<!tpu.dma_semaphore, #tpu.memory_space<semaphore_mem>>) src(%dma_wait3A_204 : memref<128xi32, #tpu.memory_space<hbm>>) dst(%arg9 : memref<128xi32, #tpu.memory_space<vmem>>)
        tpu.yield
      }) : () -> ()
      %get3A_120 = arith.constant 0 : index
      %get3A_121 = tpu.vector_load %arg8[%get3A_120] {strides = array<i32>} : memref<128xi32, #tpu.memory_space<vmem>>, vector<16xi32>,
      %get3A_122 = vector.shape_cast %get3A_121 : vector<16xi32> to vector<16xi32>
      %add3A_123 = vector.broadcast %mul3A_0 : i32 to vector<16xi32>
      %add3A_124 = arith.addi %get3A_122, %add3A_123 : vector<16xi32>
      %swap3A_125 = arith.constant 0 : index
      %swap3A_126 = tpu.vector_load %arg8[%swap3A_125] {strides = array<i32>} : memref<128xi32, #tpu.memory_space<vmem>>, vector<16xi32>,
      %swap3A_127 = vector.shape_cast %swap3A_126 : vector<16xi32> to vector<16xi32>
      %swap3A_128 = vector.shape_cast %add3A_124 : vector<16xi32> to vector<16xi32>
      tpu.vector_store %arg8[%swap3A_125], %swap3A_128 {strides = array<i32>} : memref<128xi32, #tpu.memory_space<vmem>>, vector<16xi32>,
      %get3A_129 = arith.constant 16 : index
      %get3A_130 = tpu.vector_load %arg8[%get3A_129] {strides = array<i32>} : memref<128xi32, #tpu.memory_space<vmem>>, vector<16xi32>,
      %get3A_131 = vector.shape_cast %get3A_130 : vector<16xi32> to vector<16xi32>
      %add3A_132 = vector.broadcast %mul3A_0 : i32 to vector<16xi32>
      %add3A_133 = arith.addi %get3A_131, %add3A_132 : vector<16xi32>
      %swap3A_134 = arith.constant 16 : index
      %swap3A_135 = tpu.vector_load %arg8[%swap3A_134] {strides = array<i32>} : memref<128xi32, #tpu.memory_space<vmem>>, vector<16xi32>,
      %swap3A_136 = vector.shape_cast %swap3A_135 : vector<16xi32> to vector<16xi32>
      %swap3A_137 = vector.shape_cast %add3A_133 : vector<16xi32> to vector<16xi32>
      tpu.vector_store %arg8[%swap3A_134], %swap3A_137 {strides = array<i32>} : memref<128xi32, #tpu.memory_space<vmem>>, vector<16xi32>,
      %get3A_138 = arith.constant 32 : index
      %get3A_139 = tpu.vector_load %arg8[%get3A_138] {strides = array<i32>} : memref<128xi32, #tpu.memory_space<vmem>>, vector<16xi32>,
      %get3A_140 = vector.shape_cast %get3A_139 : vector<16xi32> to vector<16xi32>
      %add3A_141 = vector.broadcast %mul3A_0 : i32 to vector<16xi32>
      %add3A_142 = arith.addi %get3A_140, %add3A_141 : vector<16xi32>
      %swap3A_143 = arith.constant 32 : index
      %swap3A_144 = tpu.vector_load %arg8[%swap3A_143] {strides = array<i32>} : memref<128xi32, #tpu.memory_space<vmem>>, vector<16xi32>,
      %swap3A_145 = vector.shape_cast %swap3A_144 : vector<16xi32> to vector<16xi32>
      %swap3A_146 = vector.shape_cast %add3A_142 : vector<16xi32> to vector<16xi32>
      tpu.vector_store %arg8[%swap3A_143], %swap3A_146 {strides = array<i32>} : memref<128xi32, #tpu.memory_space<vmem>>, vector<16xi32>,
      %get3A_147 = arith.constant 48 : index
      %get3A_148 = tpu.vector_load %arg8[%get3A_147] {strides = array<i32>} : memref<128xi32, #tpu.memory_space<vmem>>, vector<16xi32>,
      %get3A_149 = vector.shape_cast %get3A_148 : vector<16xi32> to vector<16xi32>
      %add3A_150 = vector.broadcast %mul3A_0 : i32 to vector<16xi32>
      %add3A_151 = arith.addi %get3A_149, %add3A_150 : vector<16xi32>
      %swap3A_152 = arith.constant 48 : index
      %swap3A_153 = tpu.vector_load %arg8[%swap3A_152] {strides = array<i32>} : memref<128xi32, #tpu.memory_space<vmem>>, vector<16xi32>,
      %swap3A_154 = vector.shape_cast %swap3A_153 : vector<16xi32> to vector<16xi32>
      %swap3A_155 = vector.shape_cast %add3A_151 : vector<16xi32> to vector<16xi32>
      tpu.vector_store %arg8[%swap3A_152], %swap3A_155 {strides = array<i32>} : memref<128xi32, #tpu.memory_space<vmem>>, vector<16xi32>,
      %get3A_156 = arith.constant 64 : index
      %get3A_157 = tpu.vector_load %arg8[%get3A_156] {strides = array<i32>} : memref<128xi32, #tpu.memory_space<vmem>>, vector<16xi32>,
      %get3A_158 = vector.shape_cast %get3A_157 : vector<16xi32> to vector<16xi32>
      %add3A_159 = vector.broadcast %mul3A_0 : i32 to vector<16xi32>
      %add3A_160 = arith.addi %get3A_158, %add3A_159 : vector<16xi32>
      %swap3A_161 = arith.constant 64 : index
      %swap3A_162 = tpu.vector_load %arg8[%swap3A_161] {strides = array<i32>} : memref<128xi32, #tpu.memory_space<vmem>>, vector<16xi32>,
      %swap3A_163 = vector.shape_cast %swap3A_162 : vector<16xi32> to vector<16xi32>
      %swap3A_164 = vector.shape_cast %add3A_160 : vector<16xi32> to vector<16xi32>
      tpu.vector_store %arg8[%swap3A_161], %swap3A_164 {strides = array<i32>} : memref<128xi32, #tpu.memory_space<vmem>>, vector<16xi32>,
      %get3A_165 = arith.constant 80 : index
      %get3A_166 = tpu.vector_load %arg8[%get3A_165] {strides = array<i32>} : memref<128xi32, #tpu.memory_space<vmem>>, vector<16xi32>,
      %get3A_167 = vector.shape_cast %get3A_166 : vector<16xi32> to vector<16xi32>
      %add3A_168 = vector.broadcast %mul3A_0 : i32 to vector<16xi32>
      %add3A_169 = arith.addi %get3A_167, %add3A_168 : vector<16xi32>
      %swap3A_170 = arith.constant 80 : index
      %swap3A_171 = tpu.vector_load %arg8[%swap3A_170] {strides = array<i32>} : memref<128xi32, #tpu.memory_space<vmem>>, vector<16xi32>,
      %swap3A_172 = vector.shape_cast %swap3A_171 : vector<16xi32> to vector<16xi32>
      %swap3A_173 = vector.shape_cast %add3A_169 : vector<16xi32> to vector<16xi32>
      tpu.vector_store %arg8[%swap3A_170], %swap3A_173 {strides = array<i32>} : memref<128xi32, #tpu.memory_space<vmem>>, vector<16xi32>,
      %get3A_174 = arith.constant 96 : index
      %get3A_175 = tpu.vector_load %arg8[%get3A_174] {strides = array<i32>} : memref<128xi32, #tpu.memory_space<vmem>>, vector<16xi32>,
      %get3A_176 = vector.shape_cast %get3A_175 : vector<16xi32> to vector<16xi32>
      %add3A_177 = vector.broadcast %mul3A_0 : i32 to vector<16xi32>
      %add3A_178 = arith.addi %get3A_176, %add3A_177 : vector<16xi32>
      %swap3A_179 = arith.constant 96 : index
      %swap3A_180 = tpu.vector_load %arg8[%swap3A_179] {strides = array<i32>} : memref<128xi32, #tpu.memory_space<vmem>>, vector<16xi32>,
      %swap3A_181 = vector.shape_cast %swap3A_180 : vector<16xi32> to vector<16xi32>
      %swap3A_182 = vector.shape_cast %add3A_178 : vector<16xi32> to vector<16xi32>
      tpu.vector_store %arg8[%swap3A_179], %swap3A_182 {strides = array<i32>} : memref<128xi32, #tpu.memory_space<vmem>>, vector<16xi32>,
      %get3A_183 = arith.constant 112 : index
      %get3A_184 = tpu.vector_load %arg8[%get3A_183] {strides = array<i32>} : memref<128xi32, #tpu.memory_space<vmem>>, vector<16xi32>,
      %get3A_185 = vector.shape_cast %get3A_184 : vector<16xi32> to vector<16xi32>
      %add3A_186 = vector.broadcast %mul3A_0 : i32 to vector<16xi32>
      %add3A_187 = arith.addi %get3A_185, %add3A_186 : vector<16xi32>
      %swap3A_188 = arith.constant 112 : index
      %swap3A_189 = tpu.vector_load %arg8[%swap3A_188] {strides = array<i32>} : memref<128xi32, #tpu.memory_space<vmem>>, vector<16xi32>,
      %swap3A_190 = vector.shape_cast %swap3A_189 : vector<16xi32> to vector<16xi32>
      %swap3A_191 = vector.shape_cast %add3A_187 : vector<16xi32> to vector<16xi32>
      tpu.vector_store %arg8[%swap3A_188], %swap3A_191 {strides = array<i32>} : memref<128xi32, #tpu.memory_space<vmem>>, vector<16xi32>,
      %dma_start3A_192 = arith.constant 0 : i32
      %dma_start3A_193 = arith.constant 0 : i32
      %dma_start3A_194 = tpu.memref_slice %arg2[%dma_start3A_192, %dma_start3A_193] : memref<20480x128xf32, #tpu.memory_space<hbm>> -> memref<20480x128xf32, #tpu.memory_space<hbm>>
      tpu.enqueue_indirect_dma source(%dma_start3A_194 : memref<20480x128xf32, #tpu.memory_space<hbm>>) target(%arg11 : memref<128x128xf32, #tpu.memory_space<vmem>>) offsets(%arg8 : memref<128xi32, #tpu.memory_space<vmem>>) semaphore(%arg13 : memref<!tpu.dma_semaphore, #tpu.memory_space<semaphore_mem>>)
      %dma_wait3A = arith.constant 0 : i32
      %dma_wait3A_195 = arith.constant 0 : i32
      %dma_wait3A_196 = tpu.memref_slice %arg2[%dma_wait3A, %dma_wait3A_195] : memref<20480x128xf32, #tpu.memory_space<hbm>> -> memref<20480x128xf32, #tpu.memory_space<hbm>>
      tpu.wait_indirect_dma semaphore(%arg12 : memref<!tpu.dma_semaphore, #tpu.memory_space<semaphore_mem>>) src(%dma_wait3A_196 : memref<20480x128xf32, #tpu.memory_space<hbm>>) dst(%arg10 : memref<128x128xf32, #tpu.memory_space<vmem>>)
      "tpu.region"() ({
        %run_scoped3A = tpu.sem_alloc : memref<!tpu.dma_semaphore, #tpu.memory_space<semaphore_mem>>
        %dma_start3A_201 = arith.constant 0 : i32
        %dma_start3A_202 = arith.constant 0 : i32
        %dma_start3A_203 = tpu.memref_slice %arg14[%dma_start3A_201, %dma_start3A_202] : memref<10240x128xf32, #tpu.memory_space<vmem_shared>> -> memref<10240x128xf32, #tpu.memory_space<vmem_shared>>
        tpu.enqueue_indirect_dma source(%arg10 : memref<128x128xf32, #tpu.memory_space<vmem>>) target(%dma_start3A_203 : memref<10240x128xf32, #tpu.memory_space<vmem_shared>>) offsets(%arg7 : memref<128xi32, #tpu.memory_space<vmem>>) semaphore(%run_scoped3A : memref<!tpu.dma_semaphore, #tpu.memory_space<semaphore_mem>>) {add = true}
        %dma_wait3A_204 = arith.constant 0 : i32
        %dma_wait3A_205 = arith.constant 0 : i32
        %dma_wait3A_206 = tpu.memref_slice %arg14[%dma_wait3A_204, %dma_wait3A_205] : memref<10240x128xf32, #tpu.memory_space<vmem_shared>> -> memref<10240x128xf32, #tpu.memory_space<vmem_shared>>
        tpu.wait_indirect_dma semaphore(%run_scoped3A : memref<!tpu.dma_semaphore, #tpu.memory_space<semaphore_mem>>) src(%arg10 : memref<128x128xf32, #tpu.memory_space<vmem>>) dst(%dma_wait3A_206 : memref<10240x128xf32, #tpu.memory_space<vmem_shared>>)
        tpu.yield
      }) : () -> ()
      %dma_wait3A_197 = arith.constant 0 : i32
      %dma_wait3A_198 = arith.constant 0 : i32
      %dma_wait3A_199 = tpu.memref_slice %arg2[%dma_wait3A_197, %dma_wait3A_198] : memref<20480x128xf32, #tpu.memory_space<hbm>> -> memref<20480x128xf32, #tpu.memory_space<hbm>>
      tpu.wait_indirect_dma semaphore(%arg13 : memref<!tpu.dma_semaphore, #tpu.memory_space<semaphore_mem>>) src(%dma_wait3A_199 : memref<20480x128xf32, #tpu.memory_space<hbm>>) dst(%arg11 : memref<128x128xf32, #tpu.memory_space<vmem>>)
      "tpu.region"() ({
        %run_scoped3A = tpu.sem_alloc : memref<!tpu.dma_semaphore, #tpu.memory_space<semaphore_mem>>
        %dma_start3A_201 = arith.constant 0 : i32
        %dma_start3A_202 = arith.constant 0 : i32
        %dma_start3A_203 = tpu.memref_slice %arg14[%dma_start3A_201, %dma_start3A_202] : memref<10240x128xf32, #tpu.memory_space<vmem_shared>> -> memref<10240x128xf32, #tpu.memory_space<vmem_shared>>
        tpu.enqueue_indirect_dma source(%arg11 : memref<128x128xf32, #tpu.memory_space<vmem>>) target(%dma_start3A_203 : memref<10240x128xf32, #tpu.memory_space<vmem_shared>>) offsets(%arg9 : memref<128xi32, #tpu.memory_space<vmem>>) semaphore(%run_scoped3A : memref<!tpu.dma_semaphore, #tpu.memory_space<semaphore_mem>>) {add = true}
        %dma_wait3A_204 = arith.constant 0 : i32
        %dma_wait3A_205 = arith.constant 0 : i32
        %dma_wait3A_206 = tpu.memref_slice %arg14[%dma_wait3A_204, %dma_wait3A_205] : memref<10240x128xf32, #tpu.memory_space<vmem_shared>> -> memref<10240x128xf32, #tpu.memory_space<vmem_shared>>
        tpu.wait_indirect_dma semaphore(%run_scoped3A : memref<!tpu.dma_semaphore, #tpu.memory_space<semaphore_mem>>) src(%arg11 : memref<128x128xf32, #tpu.memory_space<vmem>>) dst(%dma_wait3A_206 : memref<10240x128xf32, #tpu.memory_space<vmem_shared>>)
        tpu.yield
      }) : () -> ()
      %scan3A_200 = arith.constant 0 : i32
      scf.yield %scan3A_200 : i32
    }
    %scan3A_20 = arith.constant 79 : i32
    %barrier3A_21 = arith.constant 0 : index
    tpu.barrier barrier_id(%barrier3A_21)
    %mul3A_22 = arith.constant 640 : i32
    %mul3A_23 = arith.muli %arg1, %mul3A_22 : i32
    %mul3A_24 = arith.constant 10240 : i32
    %mul3A_25 = arith.muli %arg0, %mul3A_24 : i32
    %mul3A_26 = arith.constant 640 : i32
    %mul3A_27 = arith.muli %arg1, %mul3A_26 : i32
    %add3A = arith.addi %mul3A_25, %mul3A_27 : i32
    "tpu.region"() ({
      %run_scoped3A = tpu.sem_alloc : memref<!tpu.dma_semaphore, #tpu.memory_space<semaphore_mem>>
      %dma_start3A = arith.constant 0 : i32
      %dma_start3A_28 = tpu.memref_slice %arg5[%add3A, %dma_start3A] : memref<20480x128xf32, #tpu.memory_space<hbm>> -> memref<640x128xf32, #tpu.memory_space<hbm>>
      %dma_start3A_29 = arith.constant 0 : i32
      %dma_start3A_30 = tpu.memref_slice %arg14[%mul3A_23, %dma_start3A_29] : memref<10240x128xf32, #tpu.memory_space<vmem_shared>> -> memref<640x128xf32, #tpu.memory_space<vmem_shared>>
      tpu.enqueue_dma source(%dma_start3A_30 : memref<640x128xf32, #tpu.memory_space<vmem_shared>>) target(%dma_start3A_28 : memref<640x128xf32, #tpu.memory_space<hbm>>) target_semaphore(%run_scoped3A : memref<!tpu.dma_semaphore, #tpu.memory_space<semaphore_mem>>)
      %dma_wait3A = arith.constant 0 : i32
      %dma_wait3A_31 = tpu.memref_slice %arg5[%add3A, %dma_wait3A] : memref<20480x128xf32, #tpu.memory_space<hbm>> -> memref<640x128xf32, #tpu.memory_space<hbm>>
      %dma_wait3A_32 = arith.constant 0 : i32
      %dma_wait3A_33 = tpu.memref_slice %arg14[%mul3A_23, %dma_wait3A_32] : memref<10240x128xf32, #tpu.memory_space<vmem_shared>> -> memref<640x128xf32, #tpu.memory_space<vmem_shared>>
      tpu.wait_dma2 semaphore(%run_scoped3A : memref<!tpu.dma_semaphore, #tpu.memory_space<semaphore_mem>>) src(%dma_wait3A_33 : memref<640x128xf32, #tpu.memory_space<vmem_shared>>) dst(%dma_wait3A_31 : memref<640x128xf32, #tpu.memory_space<hbm>>)
      tpu.yield
    }) : () -> ()
    return
  }
}

#map = affine_map<(d0, d1) -> (0)>
#map1 = affine_map<(d0, d1) -> (0, 0)>
module attributes {stable_mosaic.version = 14 : i64} {
  func.func @w_kernel(%arg0: i32, %arg1: i32, %arg2: memref<323584xi32, #tpu.memory_space<hbm>>, %arg3: memref<323584xi32, #tpu.memory_space<hbm>>, %arg4: memref<10240x128xf32, #tpu.memory_space<hbm>>, %arg5: memref<20480x128xf32, #tpu.memory_space<hbm>>, %arg6: memref<128xi32, #tpu.memory_space<vmem>>, %arg7: memref<128xi32, #tpu.memory_space<vmem>>, %arg8: memref<128x128xf32, #tpu.memory_space<vmem>>, %arg9: memref<!tpu.dma_semaphore, #tpu.memory_space<semaphore_mem>>, %arg10: memref<10240x128xf32, #tpu.memory_space<vmem_shared>>) attributes {dimension_semantics = [#tpu.dimension_semantics<core_parallel>, #tpu.dimension_semantics<subcore_parallel>], iteration_bounds = array<i64: 2, 16>, scalar_prefetch = 0 : i64, scratch_operands = 5 : i64, tpu.core_type = #tpu.core_type<sc_vector_subcore>, window_params = [{transform_indices = #map}, {transform_indices = #map}, {transform_indices = #map1}, {transform_indices = #map1}]} {
    %scan3A = arith.constant 0 : i32
    %scan3A_0 = arith.constant 0 : i32
    %scan3A_1 = arith.constant 128 : i32
    %scan3A_2 = arith.addi %scan3A_0, %scan3A_1 : i32
    %scan3A_3 = arith.constant 1 : i32
    %scan3A_4 = scf.for %scan3A_26 = %scan3A_0 to %scan3A_2 step %scan3A_3 iter_args(%scan3A_27 = %scan3A) -> (i32)  : i32 {
      %broadcast_in_dim3A = arith.constant 0.000000e+00 : f32
      %broadcast_in_dim3A_28 = vector.broadcast %broadcast_in_dim3A : f32 to vector<16xf32>
      %swap3A = arith.index_cast %scan3A_26 : i32 to index
      %swap3A_29 = arith.constant 0 : index
      %swap3A_30 = tpu.vector_load %arg8[%swap3A, %swap3A_29] {strides = array<i32>} : memref<128x128xf32, #tpu.memory_space<vmem>>, vector<1x16xf32>,
      %swap3A_31 = vector.shape_cast %swap3A_30 : vector<1x16xf32> to vector<16xf32>
      %swap3A_32 = vector.shape_cast %broadcast_in_dim3A_28 : vector<16xf32> to vector<1x16xf32>
      tpu.vector_store %arg8[%swap3A, %swap3A_29], %swap3A_32 {strides = array<i32>} : memref<128x128xf32, #tpu.memory_space<vmem>>, vector<1x16xf32>,
      %broadcast_in_dim3A_33 = arith.constant 0.000000e+00 : f32
      %broadcast_in_dim3A_34 = vector.broadcast %broadcast_in_dim3A_33 : f32 to vector<16xf32>
      %swap3A_35 = arith.index_cast %scan3A_26 : i32 to index
      %swap3A_36 = arith.constant 16 : index
      %swap3A_37 = tpu.vector_load %arg8[%swap3A_35, %swap3A_36] {strides = array<i32>} : memref<128x128xf32, #tpu.memory_space<vmem>>, vector<1x16xf32>,
      %swap3A_38 = vector.shape_cast %swap3A_37 : vector<1x16xf32> to vector<16xf32>
      %swap3A_39 = vector.shape_cast %broadcast_in_dim3A_34 : vector<16xf32> to vector<1x16xf32>
      tpu.vector_store %arg8[%swap3A_35, %swap3A_36], %swap3A_39 {strides = array<i32>} : memref<128x128xf32, #tpu.memory_space<vmem>>, vector<1x16xf32>,
      %broadcast_in_dim3A_40 = arith.constant 0.000000e+00 : f32
      %broadcast_in_dim3A_41 = vector.broadcast %broadcast_in_dim3A_40 : f32 to vector<16xf32>
      %swap3A_42 = arith.index_cast %scan3A_26 : i32 to index
      %swap3A_43 = arith.constant 32 : index
      %swap3A_44 = tpu.vector_load %arg8[%swap3A_42, %swap3A_43] {strides = array<i32>} : memref<128x128xf32, #tpu.memory_space<vmem>>, vector<1x16xf32>,
      %swap3A_45 = vector.shape_cast %swap3A_44 : vector<1x16xf32> to vector<16xf32>
      %swap3A_46 = vector.shape_cast %broadcast_in_dim3A_41 : vector<16xf32> to vector<1x16xf32>
      tpu.vector_store %arg8[%swap3A_42, %swap3A_43], %swap3A_46 {strides = array<i32>} : memref<128x128xf32, #tpu.memory_space<vmem>>, vector<1x16xf32>,
      %broadcast_in_dim3A_47 = arith.constant 0.000000e+00 : f32
      %broadcast_in_dim3A_48 = vector.broadcast %broadcast_in_dim3A_47 : f32 to vector<16xf32>
      %swap3A_49 = arith.index_cast %scan3A_26 : i32 to index
      %swap3A_50 = arith.constant 48 : index
      %swap3A_51 = tpu.vector_load %arg8[%swap3A_49, %swap3A_50] {strides = array<i32>} : memref<128x128xf32, #tpu.memory_space<vmem>>, vector<1x16xf32>,
      %swap3A_52 = vector.shape_cast %swap3A_51 : vector<1x16xf32> to vector<16xf32>
      %swap3A_53 = vector.shape_cast %broadcast_in_dim3A_48 : vector<16xf32> to vector<1x16xf32>
      tpu.vector_store %arg8[%swap3A_49, %swap3A_50], %swap3A_53 {strides = array<i32>} : memref<128x128xf32, #tpu.memory_space<vmem>>, vector<1x16xf32>,
      %broadcast_in_dim3A_54 = arith.constant 0.000000e+00 : f32
      %broadcast_in_dim3A_55 = vector.broadcast %broadcast_in_dim3A_54 : f32 to vector<16xf32>
      %swap3A_56 = arith.index_cast %scan3A_26 : i32 to index
      %swap3A_57 = arith.constant 64 : index
      %swap3A_58 = tpu.vector_load %arg8[%swap3A_56, %swap3A_57] {strides = array<i32>} : memref<128x128xf32, #tpu.memory_space<vmem>>, vector<1x16xf32>,
      %swap3A_59 = vector.shape_cast %swap3A_58 : vector<1x16xf32> to vector<16xf32>
      %swap3A_60 = vector.shape_cast %broadcast_in_dim3A_55 : vector<16xf32> to vector<1x16xf32>
      tpu.vector_store %arg8[%swap3A_56, %swap3A_57], %swap3A_60 {strides = array<i32>} : memref<128x128xf32, #tpu.memory_space<vmem>>, vector<1x16xf32>,
      %broadcast_in_dim3A_61 = arith.constant 0.000000e+00 : f32
      %broadcast_in_dim3A_62 = vector.broadcast %broadcast_in_dim3A_61 : f32 to vector<16xf32>
      %swap3A_63 = arith.index_cast %scan3A_26 : i32 to index
      %swap3A_64 = arith.constant 80 : index
      %swap3A_65 = tpu.vector_load %arg8[%swap3A_63, %swap3A_64] {strides = array<i32>} : memref<128x128xf32, #tpu.memory_space<vmem>>, vector<1x16xf32>,
      %swap3A_66 = vector.shape_cast %swap3A_65 : vector<1x16xf32> to vector<16xf32>
      %swap3A_67 = vector.shape_cast %broadcast_in_dim3A_62 : vector<16xf32> to vector<1x16xf32>
      tpu.vector_store %arg8[%swap3A_63, %swap3A_64], %swap3A_67 {strides = array<i32>} : memref<128x128xf32, #tpu.memory_space<vmem>>, vector<1x16xf32>,
      %broadcast_in_dim3A_68 = arith.constant 0.000000e+00 : f32
      %broadcast_in_dim3A_69 = vector.broadcast %broadcast_in_dim3A_68 : f32 to vector<16xf32>
      %swap3A_70 = arith.index_cast %scan3A_26 : i32 to index
      %swap3A_71 = arith.constant 96 : index
      %swap3A_72 = tpu.vector_load %arg8[%swap3A_70, %swap3A_71] {strides = array<i32>} : memref<128x128xf32, #tpu.memory_space<vmem>>, vector<1x16xf32>,
      %swap3A_73 = vector.shape_cast %swap3A_72 : vector<1x16xf32> to vector<16xf32>
      %swap3A_74 = vector.shape_cast %broadcast_in_dim3A_69 : vector<16xf32> to vector<1x16xf32>
      tpu.vector_store %arg8[%swap3A_70, %swap3A_71], %swap3A_74 {strides = array<i32>} : memref<128x128xf32, #tpu.memory_space<vmem>>, vector<1x16xf32>,
      %broadcast_in_dim3A_75 = arith.constant 0.000000e+00 : f32
      %broadcast_in_dim3A_76 = vector.broadcast %broadcast_in_dim3A_75 : f32 to vector<16xf32>
      %swap3A_77 = arith.index_cast %scan3A_26 : i32 to index
      %swap3A_78 = arith.constant 112 : index
      %swap3A_79 = tpu.vector_load %arg8[%swap3A_77, %swap3A_78] {strides = array<i32>} : memref<128x128xf32, #tpu.memory_space<vmem>>, vector<1x16xf32>,
      %swap3A_80 = vector.shape_cast %swap3A_79 : vector<1x16xf32> to vector<16xf32>
      %swap3A_81 = vector.shape_cast %broadcast_in_dim3A_76 : vector<16xf32> to vector<1x16xf32>
      tpu.vector_store %arg8[%swap3A_77, %swap3A_78], %swap3A_81 {strides = array<i32>} : memref<128x128xf32, #tpu.memory_space<vmem>>, vector<1x16xf32>,
      %scan3A_82 = arith.constant 0 : i32
      scf.yield %scan3A_82 : i32
    }
    %scan3A_5 = arith.constant 128 : i32
    %scan3A_6 = arith.constant 0 : i32
    %scan3A_7 = arith.constant 0 : i32
    %scan3A_8 = arith.constant 5 : i32
    %scan3A_9 = arith.addi %scan3A_7, %scan3A_8 : i32
    %scan3A_10 = arith.constant 1 : i32
    %scan3A_11 = scf.for %scan3A_26 = %scan3A_7 to %scan3A_9 step %scan3A_10 iter_args(%scan3A_27 = %scan3A_6) -> (i32)  : i32 {
      %mul3A_28 = arith.constant 640 : i32
      %mul3A_29 = arith.muli %arg1, %mul3A_28 : i32
      %mul3A_30 = arith.constant 128 : i32
      %mul3A_31 = arith.muli %scan3A_26, %mul3A_30 : i32
      %add3A_32 = arith.addi %mul3A_29, %mul3A_31 : i32
      "tpu.region"() ({
        %run_scoped3A = tpu.sem_alloc : memref<!tpu.dma_semaphore, #tpu.memory_space<semaphore_mem>>
        %dma_start3A = arith.constant 0 : i32
        %dma_start3A_34 = tpu.memref_slice %arg10[%add3A_32, %dma_start3A] : memref<10240x128xf32, #tpu.memory_space<vmem_shared>> -> memref<128x128xf32, #tpu.memory_space<vmem_shared>>
        %dma_start3A_35 = arith.constant 0 : i32
        %dma_start3A_36 = tpu.memref_slice %arg10[%add3A_32, %dma_start3A_35] : memref<10240x128xf32, #tpu.memory_space<vmem_shared>> -> memref<128x128xf32, #tpu.memory_space<vmem_shared>>
        tpu.enqueue_dma source(%arg8 : memref<128x128xf32, #tpu.memory_space<vmem>>) target(%dma_start3A_36 : memref<128x128xf32, #tpu.memory_space<vmem_shared>>) target_semaphore(%run_scoped3A : memref<!tpu.dma_semaphore, #tpu.memory_space<semaphore_mem>>)
        %dma_wait3A = arith.constant 0 : i32
        %dma_wait3A_37 = tpu.memref_slice %arg10[%add3A_32, %dma_wait3A] : memref<10240x128xf32, #tpu.memory_space<vmem_shared>> -> memref<128x128xf32, #tpu.memory_space<vmem_shared>>
        %dma_wait3A_38 = arith.constant 0 : i32
        %dma_wait3A_39 = tpu.memref_slice %arg10[%add3A_32, %dma_wait3A_38] : memref<10240x128xf32, #tpu.memory_space<vmem_shared>> -> memref<128x128xf32, #tpu.memory_space<vmem_shared>>
        tpu.wait_dma2 semaphore(%run_scoped3A : memref<!tpu.dma_semaphore, #tpu.memory_space<semaphore_mem>>) src(%arg8 : memref<128x128xf32, #tpu.memory_space<vmem>>) dst(%dma_wait3A_39 : memref<128x128xf32, #tpu.memory_space<vmem_shared>>)
        tpu.yield
      }) : () -> ()
      %scan3A_33 = arith.constant 0 : i32
      scf.yield %scan3A_33 : i32
    }
    %scan3A_12 = arith.constant 5 : i32
    %barrier3A = arith.constant 0 : index
    tpu.barrier barrier_id(%barrier3A)
    %scan3A_13 = arith.constant 0 : i32
    %scan3A_14 = arith.constant 0 : i32
    %scan3A_15 = arith.constant 79 : i32
    %scan3A_16 = arith.addi %scan3A_14, %scan3A_15 : i32
    %scan3A_17 = arith.constant 1 : i32
    %scan3A_18 = scf.for %scan3A_26 = %scan3A_14 to %scan3A_16 step %scan3A_17 iter_args(%scan3A_27 = %scan3A_13) -> (i32)  : i32 {
      %mul3A_28 = arith.constant 161792 : i32
      %mul3A_29 = arith.muli %arg0, %mul3A_28 : i32
      %mul3A_30 = arith.constant 10112 : i32
      %mul3A_31 = arith.muli %arg1, %mul3A_30 : i32
      %add3A_32 = arith.addi %mul3A_29, %mul3A_31 : i32
      %mul3A_33 = arith.constant 128 : i32
      %mul3A_34 = arith.muli %scan3A_26, %mul3A_33 : i32
      %add3A_35 = arith.addi %add3A_32, %mul3A_34 : i32
      "tpu.region"() ({
        %run_scoped3A = tpu.sem_alloc : memref<!tpu.dma_semaphore, #tpu.memory_space<semaphore_mem>>
        %dma_start3A_41 = tpu.memref_slice %arg3[%add3A_35] : memref<323584xi32, #tpu.memory_space<hbm>> -> memref<128xi32, #tpu.memory_space<hbm>>
        %dma_start3A_42 = tpu.memref_slice %arg3[%add3A_35] : memref<323584xi32, #tpu.memory_space<hbm>> -> memref<128xi32, #tpu.memory_space<hbm>>
        tpu.enqueue_dma source(%dma_start3A_42 : memref<128xi32, #tpu.memory_space<hbm>>) target(%arg7 : memref<128xi32, #tpu.memory_space<vmem>>) target_semaphore(%run_scoped3A : memref<!tpu.dma_semaphore, #tpu.memory_space<semaphore_mem>>)
        %dma_wait3A_43 = tpu.memref_slice %arg3[%add3A_35] : memref<323584xi32, #tpu.memory_space<hbm>> -> memref<128xi32, #tpu.memory_space<hbm>>
        %dma_wait3A_44 = tpu.memref_slice %arg3[%add3A_35] : memref<323584xi32, #tpu.memory_space<hbm>> -> memref<128xi32, #tpu.memory_space<hbm>>
        tpu.wait_dma2 semaphore(%run_scoped3A : memref<!tpu.dma_semaphore, #tpu.memory_space<semaphore_mem>>) src(%dma_wait3A_44 : memref<128xi32, #tpu.memory_space<hbm>>) dst(%arg7 : memref<128xi32, #tpu.memory_space<vmem>>)
        tpu.yield
      }) : () -> ()
      "tpu.region"() ({
        %run_scoped3A = tpu.sem_alloc : memref<!tpu.dma_semaphore, #tpu.memory_space<semaphore_mem>>
        %dma_start3A_41 = tpu.memref_slice %arg2[%add3A_35] : memref<323584xi32, #tpu.memory_space<hbm>> -> memref<128xi32, #tpu.memory_space<hbm>>
        %dma_start3A_42 = tpu.memref_slice %arg2[%add3A_35] : memref<323584xi32, #tpu.memory_space<hbm>> -> memref<128xi32, #tpu.memory_space<hbm>>
        tpu.enqueue_dma source(%dma_start3A_42 : memref<128xi32, #tpu.memory_space<hbm>>) target(%arg6 : memref<128xi32, #tpu.memory_space<vmem>>) target_semaphore(%run_scoped3A : memref<!tpu.dma_semaphore, #tpu.memory_space<semaphore_mem>>)
        %dma_wait3A_43 = tpu.memref_slice %arg2[%add3A_35] : memref<323584xi32, #tpu.memory_space<hbm>> -> memref<128xi32, #tpu.memory_space<hbm>>
        %dma_wait3A_44 = tpu.memref_slice %arg2[%add3A_35] : memref<323584xi32, #tpu.memory_space<hbm>> -> memref<128xi32, #tpu.memory_space<hbm>>
        tpu.wait_dma2 semaphore(%run_scoped3A : memref<!tpu.dma_semaphore, #tpu.memory_space<semaphore_mem>>) src(%dma_wait3A_44 : memref<128xi32, #tpu.memory_space<hbm>>) dst(%arg6 : memref<128xi32, #tpu.memory_space<vmem>>)
        tpu.yield
      }) : () -> ()
      %dma_start3A = arith.constant 0 : i32
      %dma_start3A_36 = arith.constant 0 : i32
      %dma_start3A_37 = tpu.memref_slice %arg4[%dma_start3A, %dma_start3A_36] : memref<10240x128xf32, #tpu.memory_space<hbm>> -> memref<10240x128xf32, #tpu.memory_space<hbm>>
      tpu.enqueue_indirect_dma source(%dma_start3A_37 : memref<10240x128xf32, #tpu.memory_space<hbm>>) target(%arg8 : memref<128x128xf32, #tpu.memory_space<vmem>>) offsets(%arg7 : memref<128xi32, #tpu.memory_space<vmem>>) semaphore(%arg9 : memref<!tpu.dma_semaphore, #tpu.memory_space<semaphore_mem>>)
      %dma_wait3A = arith.constant 0 : i32
      %dma_wait3A_38 = arith.constant 0 : i32
      %dma_wait3A_39 = tpu.memref_slice %arg4[%dma_wait3A, %dma_wait3A_38] : memref<10240x128xf32, #tpu.memory_space<hbm>> -> memref<10240x128xf32, #tpu.memory_space<hbm>>
      tpu.wait_indirect_dma semaphore(%arg9 : memref<!tpu.dma_semaphore, #tpu.memory_space<semaphore_mem>>) src(%dma_wait3A_39 : memref<10240x128xf32, #tpu.memory_space<hbm>>) dst(%arg8 : memref<128x128xf32, #tpu.memory_space<vmem>>)
      "tpu.region"() ({
        %run_scoped3A = tpu.sem_alloc : memref<!tpu.dma_semaphore, #tpu.memory_space<semaphore_mem>>
        %dma_start3A_41 = arith.constant 0 : i32
        %dma_start3A_42 = arith.constant 0 : i32
        %dma_start3A_43 = tpu.memref_slice %arg10[%dma_start3A_41, %dma_start3A_42] : memref<10240x128xf32, #tpu.memory_space<vmem_shared>> -> memref<10240x128xf32, #tpu.memory_space<vmem_shared>>
        tpu.enqueue_indirect_dma source(%arg8 : memref<128x128xf32, #tpu.memory_space<vmem>>) target(%dma_start3A_43 : memref<10240x128xf32, #tpu.memory_space<vmem_shared>>) offsets(%arg6 : memref<128xi32, #tpu.memory_space<vmem>>) semaphore(%run_scoped3A : memref<!tpu.dma_semaphore, #tpu.memory_space<semaphore_mem>>) {add = true}
        %dma_wait3A_44 = arith.constant 0 : i32
        %dma_wait3A_45 = arith.constant 0 : i32
        %dma_wait3A_46 = tpu.memref_slice %arg10[%dma_wait3A_44, %dma_wait3A_45] : memref<10240x128xf32, #tpu.memory_space<vmem_shared>> -> memref<10240x128xf32, #tpu.memory_space<vmem_shared>>
        tpu.wait_indirect_dma semaphore(%run_scoped3A : memref<!tpu.dma_semaphore, #tpu.memory_space<semaphore_mem>>) src(%arg8 : memref<128x128xf32, #tpu.memory_space<vmem>>) dst(%dma_wait3A_46 : memref<10240x128xf32, #tpu.memory_space<vmem_shared>>)
        tpu.yield
      }) : () -> ()
      %scan3A_40 = arith.constant 0 : i32
      scf.yield %scan3A_40 : i32
    }
    %scan3A_19 = arith.constant 79 : i32
    %barrier3A_20 = arith.constant 0 : index
    tpu.barrier barrier_id(%barrier3A_20)
    %mul3A = arith.constant 640 : i32
    %mul3A_21 = arith.muli %arg1, %mul3A : i32
    %mul3A_22 = arith.constant 10240 : i32
    %mul3A_23 = arith.muli %arg0, %mul3A_22 : i32
    %mul3A_24 = arith.constant 640 : i32
    %mul3A_25 = arith.muli %arg1, %mul3A_24 : i32
    %add3A = arith.addi %mul3A_23, %mul3A_25 : i32
    "tpu.region"() ({
      %run_scoped3A = tpu.sem_alloc : memref<!tpu.dma_semaphore, #tpu.memory_space<semaphore_mem>>
      %dma_start3A = arith.constant 0 : i32
      %dma_start3A_26 = tpu.memref_slice %arg5[%add3A, %dma_start3A] : memref<20480x128xf32, #tpu.memory_space<hbm>> -> memref<640x128xf32, #tpu.memory_space<hbm>>
      %dma_start3A_27 = arith.constant 0 : i32
      %dma_start3A_28 = tpu.memref_slice %arg10[%mul3A_21, %dma_start3A_27] : memref<10240x128xf32, #tpu.memory_space<vmem_shared>> -> memref<640x128xf32, #tpu.memory_space<vmem_shared>>
      tpu.enqueue_dma source(%dma_start3A_28 : memref<640x128xf32, #tpu.memory_space<vmem_shared>>) target(%dma_start3A_26 : memref<640x128xf32, #tpu.memory_space<hbm>>) target_semaphore(%run_scoped3A : memref<!tpu.dma_semaphore, #tpu.memory_space<semaphore_mem>>)
      %dma_wait3A = arith.constant 0 : i32
      %dma_wait3A_29 = tpu.memref_slice %arg5[%add3A, %dma_wait3A] : memref<20480x128xf32, #tpu.memory_space<hbm>> -> memref<640x128xf32, #tpu.memory_space<hbm>>
      %dma_wait3A_30 = arith.constant 0 : i32
      %dma_wait3A_31 = tpu.memref_slice %arg10[%mul3A_21, %dma_wait3A_30] : memref<10240x128xf32, #tpu.memory_space<vmem_shared>> -> memref<640x128xf32, #tpu.memory_space<vmem_shared>>
      tpu.wait_dma2 semaphore(%run_scoped3A : memref<!tpu.dma_semaphore, #tpu.memory_space<semaphore_mem>>) src(%dma_wait3A_31 : memref<640x128xf32, #tpu.memory_space<vmem_shared>>) dst(%dma_wait3A_29 : memref<640x128xf32, #tpu.memory_space<hbm>>)
      tpu.yield
    }) : () -> ()
    return
  }
}

#map = affine_map<(d0, d1) -> (0)>
#map1 = affine_map<(d0, d1) -> (0, 0)>
module attributes {stable_mosaic.version = 14 : i64} {
  func.func @deg_kernel(%arg0: i32, %arg1: i32, %arg2: memref<647168xi32, #tpu.memory_space<hbm>>, %arg3: memref<20480x128xf32, #tpu.memory_space<hbm>>, %arg4: memref<128xi32, #tpu.memory_space<vmem>>, %arg5: memref<128x128xf32, #tpu.memory_space<vmem>>, %arg6: memref<128x128xf32, #tpu.memory_space<vmem>>, %arg7: memref<10240x128xf32, #tpu.memory_space<vmem_shared>>) attributes {dimension_semantics = [#tpu.dimension_semantics<core_parallel>, #tpu.dimension_semantics<subcore_parallel>], iteration_bounds = array<i64: 2, 16>, scalar_prefetch = 0 : i64, scratch_operands = 4 : i64, tpu.core_type = #tpu.core_type<sc_vector_subcore>, window_params = [{transform_indices = #map}, {transform_indices = #map1}]} {
    %iota3A = tpu.iota {dimensions = array<i32: 0>} : vector<16xi32>
    %convert_element_type3A = arith.sitofp %iota3A : vector<16xi32> to vector<16xf32>
    %sub3A = arith.constant 1.000000e+00 : f32
    %sub3A_0 = vector.broadcast %sub3A : f32 to vector<16xf32>
    %sub3A_1 = arith.subf %sub3A_0, %convert_element_type3A : vector<16xf32>
    %max3A = arith.constant 0.000000e+00 : f32
    %max3A_2 = vector.broadcast %max3A : f32 to vector<16xf32>
    %max3A_3 = arith.maximumf %sub3A_1, %max3A_2 : vector<16xf32>
    %scan3A = arith.constant 0 : i32
    %scan3A_4 = arith.constant 0 : i32
    %scan3A_5 = arith.constant 128 : i32
    %scan3A_6 = arith.addi %scan3A_4, %scan3A_5 : i32
    %scan3A_7 = arith.constant 1 : i32
    %scan3A_8 = scf.for %scan3A_30 = %scan3A_4 to %scan3A_6 step %scan3A_7 iter_args(%scan3A_31 = %scan3A) -> (i32)  : i32 {
      %swap3A = arith.index_cast %scan3A_30 : i32 to index
      %swap3A_32 = arith.constant 0 : index
      %swap3A_33 = tpu.vector_load %arg5[%swap3A, %swap3A_32] {strides = array<i32>} : memref<128x128xf32, #tpu.memory_space<vmem>>, vector<1x16xf32>,
      %swap3A_34 = vector.shape_cast %swap3A_33 : vector<1x16xf32> to vector<16xf32>
      %swap3A_35 = vector.shape_cast %max3A_3 : vector<16xf32> to vector<1x16xf32>
      tpu.vector_store %arg5[%swap3A, %swap3A_32], %swap3A_35 {strides = array<i32>} : memref<128x128xf32, #tpu.memory_space<vmem>>, vector<1x16xf32>,
      %broadcast_in_dim3A = arith.constant 0.000000e+00 : f32
      %broadcast_in_dim3A_36 = vector.broadcast %broadcast_in_dim3A : f32 to vector<16xf32>
      %swap3A_37 = arith.index_cast %scan3A_30 : i32 to index
      %swap3A_38 = arith.constant 16 : index
      %swap3A_39 = tpu.vector_load %arg5[%swap3A_37, %swap3A_38] {strides = array<i32>} : memref<128x128xf32, #tpu.memory_space<vmem>>, vector<1x16xf32>,
      %swap3A_40 = vector.shape_cast %swap3A_39 : vector<1x16xf32> to vector<16xf32>
      %swap3A_41 = vector.shape_cast %broadcast_in_dim3A_36 : vector<16xf32> to vector<1x16xf32>
      tpu.vector_store %arg5[%swap3A_37, %swap3A_38], %swap3A_41 {strides = array<i32>} : memref<128x128xf32, #tpu.memory_space<vmem>>, vector<1x16xf32>,
      %broadcast_in_dim3A_42 = arith.constant 0.000000e+00 : f32
      %broadcast_in_dim3A_43 = vector.broadcast %broadcast_in_dim3A_42 : f32 to vector<16xf32>
      %swap3A_44 = arith.index_cast %scan3A_30 : i32 to index
      %swap3A_45 = arith.constant 32 : index
      %swap3A_46 = tpu.vector_load %arg5[%swap3A_44, %swap3A_45] {strides = array<i32>} : memref<128x128xf32, #tpu.memory_space<vmem>>, vector<1x16xf32>,
      %swap3A_47 = vector.shape_cast %swap3A_46 : vector<1x16xf32> to vector<16xf32>
      %swap3A_48 = vector.shape_cast %broadcast_in_dim3A_43 : vector<16xf32> to vector<1x16xf32>
      tpu.vector_store %arg5[%swap3A_44, %swap3A_45], %swap3A_48 {strides = array<i32>} : memref<128x128xf32, #tpu.memory_space<vmem>>, vector<1x16xf32>,
      %broadcast_in_dim3A_49 = arith.constant 0.000000e+00 : f32
      %broadcast_in_dim3A_50 = vector.broadcast %broadcast_in_dim3A_49 : f32 to vector<16xf32>
      %swap3A_51 = arith.index_cast %scan3A_30 : i32 to index
      %swap3A_52 = arith.constant 48 : index
      %swap3A_53 = tpu.vector_load %arg5[%swap3A_51, %swap3A_52] {strides = array<i32>} : memref<128x128xf32, #tpu.memory_space<vmem>>, vector<1x16xf32>,
      %swap3A_54 = vector.shape_cast %swap3A_53 : vector<1x16xf32> to vector<16xf32>
      %swap3A_55 = vector.shape_cast %broadcast_in_dim3A_50 : vector<16xf32> to vector<1x16xf32>
      tpu.vector_store %arg5[%swap3A_51, %swap3A_52], %swap3A_55 {strides = array<i32>} : memref<128x128xf32, #tpu.memory_space<vmem>>, vector<1x16xf32>,
      %broadcast_in_dim3A_56 = arith.constant 0.000000e+00 : f32
      %broadcast_in_dim3A_57 = vector.broadcast %broadcast_in_dim3A_56 : f32 to vector<16xf32>
      %swap3A_58 = arith.index_cast %scan3A_30 : i32 to index
      %swap3A_59 = arith.constant 64 : index
      %swap3A_60 = tpu.vector_load %arg5[%swap3A_58, %swap3A_59] {strides = array<i32>} : memref<128x128xf32, #tpu.memory_space<vmem>>, vector<1x16xf32>,
      %swap3A_61 = vector.shape_cast %swap3A_60 : vector<1x16xf32> to vector<16xf32>
      %swap3A_62 = vector.shape_cast %broadcast_in_dim3A_57 : vector<16xf32> to vector<1x16xf32>
      tpu.vector_store %arg5[%swap3A_58, %swap3A_59], %swap3A_62 {strides = array<i32>} : memref<128x128xf32, #tpu.memory_space<vmem>>, vector<1x16xf32>,
      %broadcast_in_dim3A_63 = arith.constant 0.000000e+00 : f32
      %broadcast_in_dim3A_64 = vector.broadcast %broadcast_in_dim3A_63 : f32 to vector<16xf32>
      %swap3A_65 = arith.index_cast %scan3A_30 : i32 to index
      %swap3A_66 = arith.constant 80 : index
      %swap3A_67 = tpu.vector_load %arg5[%swap3A_65, %swap3A_66] {strides = array<i32>} : memref<128x128xf32, #tpu.memory_space<vmem>>, vector<1x16xf32>,
      %swap3A_68 = vector.shape_cast %swap3A_67 : vector<1x16xf32> to vector<16xf32>
      %swap3A_69 = vector.shape_cast %broadcast_in_dim3A_64 : vector<16xf32> to vector<1x16xf32>
      tpu.vector_store %arg5[%swap3A_65, %swap3A_66], %swap3A_69 {strides = array<i32>} : memref<128x128xf32, #tpu.memory_space<vmem>>, vector<1x16xf32>,
      %broadcast_in_dim3A_70 = arith.constant 0.000000e+00 : f32
      %broadcast_in_dim3A_71 = vector.broadcast %broadcast_in_dim3A_70 : f32 to vector<16xf32>
      %swap3A_72 = arith.index_cast %scan3A_30 : i32 to index
      %swap3A_73 = arith.constant 96 : index
      %swap3A_74 = tpu.vector_load %arg5[%swap3A_72, %swap3A_73] {strides = array<i32>} : memref<128x128xf32, #tpu.memory_space<vmem>>, vector<1x16xf32>,
      %swap3A_75 = vector.shape_cast %swap3A_74 : vector<1x16xf32> to vector<16xf32>
      %swap3A_76 = vector.shape_cast %broadcast_in_dim3A_71 : vector<16xf32> to vector<1x16xf32>
      tpu.vector_store %arg5[%swap3A_72, %swap3A_73], %swap3A_76 {strides = array<i32>} : memref<128x128xf32, #tpu.memory_space<vmem>>, vector<1x16xf32>,
      %broadcast_in_dim3A_77 = arith.constant 0.000000e+00 : f32
      %broadcast_in_dim3A_78 = vector.broadcast %broadcast_in_dim3A_77 : f32 to vector<16xf32>
      %swap3A_79 = arith.index_cast %scan3A_30 : i32 to index
      %swap3A_80 = arith.constant 112 : index
      %swap3A_81 = tpu.vector_load %arg5[%swap3A_79, %swap3A_80] {strides = array<i32>} : memref<128x128xf32, #tpu.memory_space<vmem>>, vector<1x16xf32>,
      %swap3A_82 = vector.shape_cast %swap3A_81 : vector<1x16xf32> to vector<16xf32>
      %swap3A_83 = vector.shape_cast %broadcast_in_dim3A_78 : vector<16xf32> to vector<1x16xf32>
      tpu.vector_store %arg5[%swap3A_79, %swap3A_80], %swap3A_83 {strides = array<i32>} : memref<128x128xf32, #tpu.memory_space<vmem>>, vector<1x16xf32>,
      %broadcast_in_dim3A_84 = arith.constant 0.000000e+00 : f32
      %broadcast_in_dim3A_85 = vector.broadcast %broadcast_in_dim3A_84 : f32 to vector<16xf32>
      %swap3A_86 = arith.index_cast %scan3A_30 : i32 to index
      %swap3A_87 = arith.constant 0 : index
      %swap3A_88 = tpu.vector_load %arg6[%swap3A_86, %swap3A_87] {strides = array<i32>} : memref<128x128xf32, #tpu.memory_space<vmem>>, vector<1x16xf32>,
      %swap3A_89 = vector.shape_cast %swap3A_88 : vector<1x16xf32> to vector<16xf32>
      %swap3A_90 = vector.shape_cast %broadcast_in_dim3A_85 : vector<16xf32> to vector<1x16xf32>
      tpu.vector_store %arg6[%swap3A_86, %swap3A_87], %swap3A_90 {strides = array<i32>} : memref<128x128xf32, #tpu.memory_space<vmem>>, vector<1x16xf32>,
      %broadcast_in_dim3A_91 = arith.constant 0.000000e+00 : f32
      %broadcast_in_dim3A_92 = vector.broadcast %broadcast_in_dim3A_91 : f32 to vector<16xf32>
      %swap3A_93 = arith.index_cast %scan3A_30 : i32 to index
      %swap3A_94 = arith.constant 16 : index
      %swap3A_95 = tpu.vector_load %arg6[%swap3A_93, %swap3A_94] {strides = array<i32>} : memref<128x128xf32, #tpu.memory_space<vmem>>, vector<1x16xf32>,
      %swap3A_96 = vector.shape_cast %swap3A_95 : vector<1x16xf32> to vector<16xf32>
      %swap3A_97 = vector.shape_cast %broadcast_in_dim3A_92 : vector<16xf32> to vector<1x16xf32>
      tpu.vector_store %arg6[%swap3A_93, %swap3A_94], %swap3A_97 {strides = array<i32>} : memref<128x128xf32, #tpu.memory_space<vmem>>, vector<1x16xf32>,
      %broadcast_in_dim3A_98 = arith.constant 0.000000e+00 : f32
      %broadcast_in_dim3A_99 = vector.broadcast %broadcast_in_dim3A_98 : f32 to vector<16xf32>
      %swap3A_100 = arith.index_cast %scan3A_30 : i32 to index
      %swap3A_101 = arith.constant 32 : index
      %swap3A_102 = tpu.vector_load %arg6[%swap3A_100, %swap3A_101] {strides = array<i32>} : memref<128x128xf32, #tpu.memory_space<vmem>>, vector<1x16xf32>,
      %swap3A_103 = vector.shape_cast %swap3A_102 : vector<1x16xf32> to vector<16xf32>
      %swap3A_104 = vector.shape_cast %broadcast_in_dim3A_99 : vector<16xf32> to vector<1x16xf32>
      tpu.vector_store %arg6[%swap3A_100, %swap3A_101], %swap3A_104 {strides = array<i32>} : memref<128x128xf32, #tpu.memory_space<vmem>>, vector<1x16xf32>,
      %broadcast_in_dim3A_105 = arith.constant 0.000000e+00 : f32
      %broadcast_in_dim3A_106 = vector.broadcast %broadcast_in_dim3A_105 : f32 to vector<16xf32>
      %swap3A_107 = arith.index_cast %scan3A_30 : i32 to index
      %swap3A_108 = arith.constant 48 : index
      %swap3A_109 = tpu.vector_load %arg6[%swap3A_107, %swap3A_108] {strides = array<i32>} : memref<128x128xf32, #tpu.memory_space<vmem>>, vector<1x16xf32>,
      %swap3A_110 = vector.shape_cast %swap3A_109 : vector<1x16xf32> to vector<16xf32>
      %swap3A_111 = vector.shape_cast %broadcast_in_dim3A_106 : vector<16xf32> to vector<1x16xf32>
      tpu.vector_store %arg6[%swap3A_107, %swap3A_108], %swap3A_111 {strides = array<i32>} : memref<128x128xf32, #tpu.memory_space<vmem>>, vector<1x16xf32>,
      %broadcast_in_dim3A_112 = arith.constant 0.000000e+00 : f32
      %broadcast_in_dim3A_113 = vector.broadcast %broadcast_in_dim3A_112 : f32 to vector<16xf32>
      %swap3A_114 = arith.index_cast %scan3A_30 : i32 to index
      %swap3A_115 = arith.constant 64 : index
      %swap3A_116 = tpu.vector_load %arg6[%swap3A_114, %swap3A_115] {strides = array<i32>} : memref<128x128xf32, #tpu.memory_space<vmem>>, vector<1x16xf32>,
      %swap3A_117 = vector.shape_cast %swap3A_116 : vector<1x16xf32> to vector<16xf32>
      %swap3A_118 = vector.shape_cast %broadcast_in_dim3A_113 : vector<16xf32> to vector<1x16xf32>
      tpu.vector_store %arg6[%swap3A_114, %swap3A_115], %swap3A_118 {strides = array<i32>} : memref<128x128xf32, #tpu.memory_space<vmem>>, vector<1x16xf32>,
      %broadcast_in_dim3A_119 = arith.constant 0.000000e+00 : f32
      %broadcast_in_dim3A_120 = vector.broadcast %broadcast_in_dim3A_119 : f32 to vector<16xf32>
      %swap3A_121 = arith.index_cast %scan3A_30 : i32 to index
      %swap3A_122 = arith.constant 80 : index
      %swap3A_123 = tpu.vector_load %arg6[%swap3A_121, %swap3A_122] {strides = array<i32>} : memref<128x128xf32, #tpu.memory_space<vmem>>, vector<1x16xf32>,
      %swap3A_124 = vector.shape_cast %swap3A_123 : vector<1x16xf32> to vector<16xf32>
      %swap3A_125 = vector.shape_cast %broadcast_in_dim3A_120 : vector<16xf32> to vector<1x16xf32>
      tpu.vector_store %arg6[%swap3A_121, %swap3A_122], %swap3A_125 {strides = array<i32>} : memref<128x128xf32, #tpu.memory_space<vmem>>, vector<1x16xf32>,
      %broadcast_in_dim3A_126 = arith.constant 0.000000e+00 : f32
      %broadcast_in_dim3A_127 = vector.broadcast %broadcast_in_dim3A_126 : f32 to vector<16xf32>
      %swap3A_128 = arith.index_cast %scan3A_30 : i32 to index
      %swap3A_129 = arith.constant 96 : index
      %swap3A_130 = tpu.vector_load %arg6[%swap3A_128, %swap3A_129] {strides = array<i32>} : memref<128x128xf32, #tpu.memory_space<vmem>>, vector<1x16xf32>,
      %swap3A_131 = vector.shape_cast %swap3A_130 : vector<1x16xf32> to vector<16xf32>
      %swap3A_132 = vector.shape_cast %broadcast_in_dim3A_127 : vector<16xf32> to vector<1x16xf32>
      tpu.vector_store %arg6[%swap3A_128, %swap3A_129], %swap3A_132 {strides = array<i32>} : memref<128x128xf32, #tpu.memory_space<vmem>>, vector<1x16xf32>,
      %broadcast_in_dim3A_133 = arith.constant 0.000000e+00 : f32
      %broadcast_in_dim3A_134 = vector.broadcast %broadcast_in_dim3A_133 : f32 to vector<16xf32>
      %swap3A_135 = arith.index_cast %scan3A_30 : i32 to index
      %swap3A_136 = arith.constant 112 : index
      %swap3A_137 = tpu.vector_load %arg6[%swap3A_135, %swap3A_136] {strides = array<i32>} : memref<128x128xf32, #tpu.memory_space<vmem>>, vector<1x16xf32>,
      %swap3A_138 = vector.shape_cast %swap3A_137 : vector<1x16xf32> to vector<16xf32>
      %swap3A_139 = vector.shape_cast %broadcast_in_dim3A_134 : vector<16xf32> to vector<1x16xf32>
      tpu.vector_store %arg6[%swap3A_135, %swap3A_136], %swap3A_139 {strides = array<i32>} : memref<128x128xf32, #tpu.memory_space<vmem>>, vector<1x16xf32>,
      %scan3A_140 = arith.constant 0 : i32
      scf.yield %scan3A_140 : i32
    }
    %scan3A_9 = arith.constant 128 : i32
    %scan3A_10 = arith.constant 0 : i32
    %scan3A_11 = arith.constant 0 : i32
    %scan3A_12 = arith.constant 5 : i32
    %scan3A_13 = arith.addi %scan3A_11, %scan3A_12 : i32
    %scan3A_14 = arith.constant 1 : i32
    %scan3A_15 = scf.for %scan3A_30 = %scan3A_11 to %scan3A_13 step %scan3A_14 iter_args(%scan3A_31 = %scan3A_10) -> (i32)  : i32 {
      %mul3A_32 = arith.constant 640 : i32
      %mul3A_33 = arith.muli %arg1, %mul3A_32 : i32
      %mul3A_34 = arith.constant 128 : i32
      %mul3A_35 = arith.muli %scan3A_30, %mul3A_34 : i32
      %add3A_36 = arith.addi %mul3A_33, %mul3A_35 : i32
      "tpu.region"() ({
        %run_scoped3A = tpu.sem_alloc : memref<!tpu.dma_semaphore, #tpu.memory_space<semaphore_mem>>
        %dma_start3A = arith.constant 0 : i32
        %dma_start3A_38 = tpu.memref_slice %arg7[%add3A_36, %dma_start3A] : memref<10240x128xf32, #tpu.memory_space<vmem_shared>> -> memref<128x128xf32, #tpu.memory_space<vmem_shared>>
        %dma_start3A_39 = arith.constant 0 : i32
        %dma_start3A_40 = tpu.memref_slice %arg7[%add3A_36, %dma_start3A_39] : memref<10240x128xf32, #tpu.memory_space<vmem_shared>> -> memref<128x128xf32, #tpu.memory_space<vmem_shared>>
        tpu.enqueue_dma source(%arg6 : memref<128x128xf32, #tpu.memory_space<vmem>>) target(%dma_start3A_40 : memref<128x128xf32, #tpu.memory_space<vmem_shared>>) target_semaphore(%run_scoped3A : memref<!tpu.dma_semaphore, #tpu.memory_space<semaphore_mem>>)
        %dma_wait3A = arith.constant 0 : i32
        %dma_wait3A_41 = tpu.memref_slice %arg7[%add3A_36, %dma_wait3A] : memref<10240x128xf32, #tpu.memory_space<vmem_shared>> -> memref<128x128xf32, #tpu.memory_space<vmem_shared>>
        %dma_wait3A_42 = arith.constant 0 : i32
        %dma_wait3A_43 = tpu.memref_slice %arg7[%add3A_36, %dma_wait3A_42] : memref<10240x128xf32, #tpu.memory_space<vmem_shared>> -> memref<128x128xf32, #tpu.memory_space<vmem_shared>>
        tpu.wait_dma2 semaphore(%run_scoped3A : memref<!tpu.dma_semaphore, #tpu.memory_space<semaphore_mem>>) src(%arg6 : memref<128x128xf32, #tpu.memory_space<vmem>>) dst(%dma_wait3A_43 : memref<128x128xf32, #tpu.memory_space<vmem_shared>>)
        tpu.yield
      }) : () -> ()
      %scan3A_37 = arith.constant 0 : i32
      scf.yield %scan3A_37 : i32
    }
    %scan3A_16 = arith.constant 5 : i32
    %barrier3A = arith.constant 0 : index
    tpu.barrier barrier_id(%barrier3A)
    %scan3A_17 = arith.constant 0 : i32
    %scan3A_18 = arith.constant 0 : i32
    %scan3A_19 = arith.constant 158 : i32
    %scan3A_20 = arith.addi %scan3A_18, %scan3A_19 : i32
    %scan3A_21 = arith.constant 1 : i32
    %scan3A_22 = scf.for %scan3A_30 = %scan3A_18 to %scan3A_20 step %scan3A_21 iter_args(%scan3A_31 = %scan3A_17) -> (i32)  : i32 {
      %mul3A_32 = arith.constant 323584 : i32
      %mul3A_33 = arith.muli %arg0, %mul3A_32 : i32
      %mul3A_34 = arith.constant 20224 : i32
      %mul3A_35 = arith.muli %arg1, %mul3A_34 : i32
      %add3A_36 = arith.addi %mul3A_33, %mul3A_35 : i32
      %mul3A_37 = arith.constant 128 : i32
      %mul3A_38 = arith.muli %scan3A_30, %mul3A_37 : i32
      %add3A_39 = arith.addi %add3A_36, %mul3A_38 : i32
      "tpu.region"() ({
        %run_scoped3A = tpu.sem_alloc : memref<!tpu.dma_semaphore, #tpu.memory_space<semaphore_mem>>
        %dma_start3A = tpu.memref_slice %arg2[%add3A_39] : memref<647168xi32, #tpu.memory_space<hbm>> -> memref<128xi32, #tpu.memory_space<hbm>>
        %dma_start3A_41 = tpu.memref_slice %arg2[%add3A_39] : memref<647168xi32, #tpu.memory_space<hbm>> -> memref<128xi32, #tpu.memory_space<hbm>>
        tpu.enqueue_dma source(%dma_start3A_41 : memref<128xi32, #tpu.memory_space<hbm>>) target(%arg4 : memref<128xi32, #tpu.memory_space<vmem>>) target_semaphore(%run_scoped3A : memref<!tpu.dma_semaphore, #tpu.memory_space<semaphore_mem>>)
        %dma_wait3A = tpu.memref_slice %arg2[%add3A_39] : memref<647168xi32, #tpu.memory_space<hbm>> -> memref<128xi32, #tpu.memory_space<hbm>>
        %dma_wait3A_42 = tpu.memref_slice %arg2[%add3A_39] : memref<647168xi32, #tpu.memory_space<hbm>> -> memref<128xi32, #tpu.memory_space<hbm>>
        tpu.wait_dma2 semaphore(%run_scoped3A : memref<!tpu.dma_semaphore, #tpu.memory_space<semaphore_mem>>) src(%dma_wait3A_42 : memref<128xi32, #tpu.memory_space<hbm>>) dst(%arg4 : memref<128xi32, #tpu.memory_space<vmem>>)
        tpu.yield
      }) : () -> ()
      "tpu.region"() ({
        %run_scoped3A = tpu.sem_alloc : memref<!tpu.dma_semaphore, #tpu.memory_space<semaphore_mem>>
        %dma_start3A = arith.constant 0 : i32
        %dma_start3A_41 = arith.constant 0 : i32
        %dma_start3A_42 = tpu.memref_slice %arg7[%dma_start3A, %dma_start3A_41] : memref<10240x128xf32, #tpu.memory_space<vmem_shared>> -> memref<10240x128xf32, #tpu.memory_space<vmem_shared>>
        tpu.enqueue_indirect_dma source(%arg5 : memref<128x128xf32, #tpu.memory_space<vmem>>) target(%dma_start3A_42 : memref<10240x128xf32, #tpu.memory_space<vmem_shared>>) offsets(%arg4 : memref<128xi32, #tpu.memory_space<vmem>>) semaphore(%run_scoped3A : memref<!tpu.dma_semaphore, #tpu.memory_space<semaphore_mem>>) {add = true}
        %dma_wait3A = arith.constant 0 : i32
        %dma_wait3A_43 = arith.constant 0 : i32
        %dma_wait3A_44 = tpu.memref_slice %arg7[%dma_wait3A, %dma_wait3A_43] : memref<10240x128xf32, #tpu.memory_space<vmem_shared>> -> memref<10240x128xf32, #tpu.memory_space<vmem_shared>>
        tpu.wait_indirect_dma semaphore(%run_scoped3A : memref<!tpu.dma_semaphore, #tpu.memory_space<semaphore_mem>>) src(%arg5 : memref<128x128xf32, #tpu.memory_space<vmem>>) dst(%dma_wait3A_44 : memref<10240x128xf32, #tpu.memory_space<vmem_shared>>)
        tpu.yield
      }) : () -> ()
      %scan3A_40 = arith.constant 0 : i32
      scf.yield %scan3A_40 : i32
    }
    %scan3A_23 = arith.constant 158 : i32
    %barrier3A_24 = arith.constant 0 : index
    tpu.barrier barrier_id(%barrier3A_24)
    %mul3A = arith.constant 640 : i32
    %mul3A_25 = arith.muli %arg1, %mul3A : i32
    %mul3A_26 = arith.constant 10240 : i32
    %mul3A_27 = arith.muli %arg0, %mul3A_26 : i32
    %mul3A_28 = arith.constant 640 : i32
    %mul3A_29 = arith.muli %arg1, %mul3A_28 : i32
    %add3A = arith.addi %mul3A_27, %mul3A_29 : i32
    "tpu.region"() ({
      %run_scoped3A = tpu.sem_alloc : memref<!tpu.dma_semaphore, #tpu.memory_space<semaphore_mem>>
      %dma_start3A = arith.constant 0 : i32
      %dma_start3A_30 = tpu.memref_slice %arg3[%add3A, %dma_start3A] : memref<20480x128xf32, #tpu.memory_space<hbm>> -> memref<640x128xf32, #tpu.memory_space<hbm>>
      %dma_start3A_31 = arith.constant 0 : i32
      %dma_start3A_32 = tpu.memref_slice %arg7[%mul3A_25, %dma_start3A_31] : memref<10240x128xf32, #tpu.memory_space<vmem_shared>> -> memref<640x128xf32, #tpu.memory_space<vmem_shared>>
      tpu.enqueue_dma source(%dma_start3A_32 : memref<640x128xf32, #tpu.memory_space<vmem_shared>>) target(%dma_start3A_30 : memref<640x128xf32, #tpu.memory_space<hbm>>) target_semaphore(%run_scoped3A : memref<!tpu.dma_semaphore, #tpu.memory_space<semaphore_mem>>)
      %dma_wait3A = arith.constant 0 : i32
      %dma_wait3A_33 = tpu.memref_slice %arg3[%add3A, %dma_wait3A] : memref<20480x128xf32, #tpu.memory_space<hbm>> -> memref<640x128xf32, #tpu.memory_space<hbm>>
      %dma_wait3A_34 = arith.constant 0 : i32
      %dma_wait3A_35 = tpu.memref_slice %arg7[%mul3A_25, %dma_wait3A_34] : memref<10240x128xf32, #tpu.memory_space<vmem_shared>> -> memref<640x128xf32, #tpu.memory_space<vmem_shared>>
      tpu.wait_dma2 semaphore(%run_scoped3A : memref<!tpu.dma_semaphore, #tpu.memory_space<semaphore_mem>>) src(%dma_wait3A_35 : memref<640x128xf32, #tpu.memory_space<vmem_shared>>) dst(%dma_wait3A_33 : memref<640x128xf32, #tpu.memory_space<hbm>>)
      tpu.yield
    }) : () -> ()
    return
  }
}

module attributes {stable_mosaic.version = 14 : i64} {
  func.func @body(%arg0: i32, %arg1: memref<256x128xf32, #tpu.memory_space<vmem>>, %arg2: memref<256x128xf32, #tpu.memory_space<vmem>>, %arg3: memref<256x128xf32, #tpu.memory_space<vmem>>, %arg4: memref<256x128xf32, #tpu.memory_space<vmem>>, %arg5: memref<256x128xf32, #tpu.memory_space<vmem>>, %arg6: memref<256x128xf32, #tpu.memory_space<vmem>>) attributes {dimension_semantics = [#tpu.dimension_semantics<arbitrary>], iteration_bounds = array<i64: 80>, scalar_prefetch = 0 : i64, scratch_operands = 0 : i64, tpu.core_type = #tpu.core_type<tc>, window_params = [{transform_indices = @transform_0, window_bounds = array<i64: 256, 128>}, {transform_indices = @transform_1, window_bounds = array<i64: 256, 128>}, {transform_indices = @transform_2, window_bounds = array<i64: 256, 128>}, {transform_indices = @transform_3, window_bounds = array<i64: 256, 128>}, {transform_indices = @transform_4, window_bounds = array<i64: 256, 128>}, {transform_indices = @transform_5, window_bounds = array<i64: 256, 128>}]} {
    %get3A = arith.constant 0 : index
    %get3A_0 = arith.constant 0 : index
    %get3A_1 = vector.load %arg2[%get3A, %get3A_0] : memref<256x128xf32, #tpu.memory_space<vmem>>, vector<256x1xf32>
    %max3A = arith.constant 1.000000e+00 : f32
    %max3A_2 = vector.broadcast %max3A : f32 to vector<256x1xf32>
    %max3A_3 = arith.maximumf %get3A_1, %max3A_2 : vector<256x1xf32>
    %rsqrt3A = math.rsqrt %max3A_3 : vector<256x1xf32>
    %get3A_4 = arith.constant 0 : index
    %get3A_5 = arith.constant 0 : index
    %get3A_6 = vector.load %arg3[%get3A_4, %get3A_5] : memref<256x128xf32, #tpu.memory_space<vmem>>, vector<256x1xf32>
    %max3A_7 = arith.constant 1.000000e+00 : f32
    %max3A_8 = vector.broadcast %max3A_7 : f32 to vector<256x1xf32>
    %max3A_9 = arith.maximumf %get3A_6, %max3A_8 : vector<256x1xf32>
    %rsqrt3A_10 = math.rsqrt %max3A_9 : vector<256x1xf32>
    %get3A_11 = arith.constant 0 : index
    %get3A_12 = arith.constant 0 : index
    %get3A_13 = vector.load %arg1[%get3A_11, %get3A_12] : memref<256x128xf32, #tpu.memory_space<vmem>>, vector<256x128xf32>
    %mul3A = vector.broadcast %rsqrt3A : vector<256x1xf32> to vector<256x128xf32>
    %mul3A_14 = arith.mulf %get3A_13, %mul3A : vector<256x128xf32>
    %swap3A = arith.constant 0 : index
    %swap3A_15 = arith.constant 0 : index
    %swap3A_16 = vector.load %arg4[%swap3A, %swap3A_15] : memref<256x128xf32, #tpu.memory_space<vmem>>, vector<256x128xf32>
    tpu.vector_store %arg4[%swap3A, %swap3A_15], %mul3A_14 {strides = array<i32>} : memref<256x128xf32, #tpu.memory_space<vmem>>, vector<256x128xf32>,
    %iota3A = tpu.iota {dimensions = array<i32: 1>} : vector<256x128xi32>
    %eq3A = arith.constant 0 : i32
    %eq3A_17 = vector.broadcast %eq3A : i32 to vector<256x128xi32>
    %eq3A_18 = arith.cmpi eq, %iota3A, %eq3A_17 : vector<256x128xi32>
    %eq3A_19 = arith.constant 1 : i32
    %eq3A_20 = vector.broadcast %eq3A_19 : i32 to vector<256x128xi32>
    %eq3A_21 = arith.cmpi eq, %iota3A, %eq3A_20 : vector<256x128xi32>
    %jit3A = arith.constant 0.000000e+00 : f32
    %broadcast_in_dim3A = vector.shape_cast %rsqrt3A_10 : vector<256x1xf32> to vector<256x1xf32>
    %broadcast_in_dim3A_22 = vector.broadcast %broadcast_in_dim3A : vector<256x1xf32> to vector<256x128xf32>
    %broadcast_in_dim3A_23 = vector.broadcast %jit3A : f32 to vector<256x128xf32>
    %select_n3A = arith.select %eq3A_21, %broadcast_in_dim3A_22, %broadcast_in_dim3A_23 : vector<256x128xi1>, vector<256x128xf32>
    %broadcast_in_dim3A_24 = vector.shape_cast %rsqrt3A : vector<256x1xf32> to vector<256x1xf32>
    %broadcast_in_dim3A_25 = vector.broadcast %broadcast_in_dim3A_24 : vector<256x1xf32> to vector<256x128xf32>
    %select_n3A_26 = arith.select %eq3A_18, %broadcast_in_dim3A_25, %select_n3A : vector<256x128xi1>, vector<256x128xf32>
    %swap3A_27 = arith.constant 0 : index
    %swap3A_28 = arith.constant 0 : index
    %swap3A_29 = vector.load %arg5[%swap3A_27, %swap3A_28] : memref<256x128xf32, #tpu.memory_space<vmem>>, vector<256x128xf32>
    tpu.vector_store %arg5[%swap3A_27, %swap3A_28], %select_n3A_26 {strides = array<i32>} : memref<256x128xf32, #tpu.memory_space<vmem>>, vector<256x128xf32>,
    %broadcast_in_dim3A_30 = vector.shape_cast %rsqrt3A_10 : vector<256x1xf32> to vector<256x1xf32>
    %broadcast_in_dim3A_31 = vector.broadcast %broadcast_in_dim3A_30 : vector<256x1xf32> to vector<256x128xf32>
    %swap3A_32 = arith.constant 0 : index
    %swap3A_33 = arith.constant 0 : index
    %swap3A_34 = vector.load %arg6[%swap3A_32, %swap3A_33] : memref<256x128xf32, #tpu.memory_space<vmem>>, vector<256x128xf32>
    tpu.vector_store %arg6[%swap3A_32, %swap3A_33], %broadcast_in_dim3A_31 {strides = array<i32>} : memref<256x128xf32, #tpu.memory_space<vmem>>, vector<256x128xf32>,
    return
  }
  func.func @transform_0(%arg0: i32) -> (i32, i32) {
    %c0_i32 = arith.constant 0 : i32
    %c0_i32_0 = arith.constant 0 : i32
    return %arg0, %c0_i32 : i32, i32
  }
  func.func @transform_1(%arg0: i32) -> (i32, i32) {
    %rem3A = arith.constant 40 : i32
    %rem3A_0 = arith.remsi %arg0, %rem3A : i32
    %c0_i32 = arith.constant 0 : i32
    %c0_i32_1 = arith.constant 0 : i32
    return %rem3A_0, %c0_i32 : i32, i32
  }
  func.func @transform_2(%arg0: i32) -> (i32, i32) {
    %rem3A = arith.constant 40 : i32
    %rem3A_0 = arith.remsi %arg0, %rem3A : i32
    %add3A = arith.constant 40 : i32
    %add3A_1 = arith.addi %add3A, %rem3A_0 : i32
    %c0_i32 = arith.constant 0 : i32
    %c0_i32_2 = arith.constant 0 : i32
    return %add3A_1, %c0_i32 : i32, i32
  }
  func.func @transform_3(%arg0: i32) -> (i32, i32) {
    %c0_i32 = arith.constant 0 : i32
    %c0_i32_0 = arith.constant 0 : i32
    return %arg0, %c0_i32 : i32, i32
  }
  func.func @transform_4(%arg0: i32) -> (i32, i32) {
    %rem3A = arith.constant 40 : i32
    %rem3A_0 = arith.remsi %arg0, %rem3A : i32
    %c0_i32 = arith.constant 0 : i32
    %c0_i32_1 = arith.constant 0 : i32
    return %rem3A_0, %c0_i32 : i32, i32
  }
  func.func @transform_5(%arg0: i32) -> (i32, i32) {
    %rem3A = arith.constant 40 : i32
    %rem3A_0 = arith.remsi %arg0, %rem3A : i32
    %c0_i32 = arith.constant 0 : i32
    %c0_i32_1 = arith.constant 0 : i32
    return %rem3A_0, %c0_i32 : i32, i32
  }
}

module attributes {stable_mosaic.version = 14 : i64} {
  func.func @body(%arg0: i32, %arg1: memref<512x128xf32, #tpu.memory_space<vmem>>, %arg2: memref<512x128xf32, #tpu.memory_space<vmem>>, %arg3: memref<512x128xf32, #tpu.memory_space<vmem>>, %arg4: memref<512x128xf32, #tpu.memory_space<vmem>>, %arg5: memref<128x128xf32, #tpu.memory_space<vmem>>, %arg6: memref<1x128xf32, #tpu.memory_space<vmem>>, %arg7: memref<128x128xf32, #tpu.memory_space<vmem>>, %arg8: memref<1x128xf32, #tpu.memory_space<vmem>>, %arg9: memref<128x128xf32, #tpu.memory_space<vmem>>, %arg10: memref<1x128xf32, #tpu.memory_space<vmem>>, %arg11: memref<1x1xf32, #tpu.memory_space<vmem>>, %arg12: memref<8x128xf32, #tpu.memory_space<vmem>>) attributes {dimension_semantics = [#tpu.dimension_semantics<arbitrary>], iteration_bounds = array<i64: 40>, scalar_prefetch = 0 : i64, scratch_operands = 1 : i64, tpu.core_type = #tpu.core_type<tc>, window_params = [{transform_indices = @transform_0, window_bounds = array<i64: 512, 128>}, {transform_indices = @transform_1, window_bounds = array<i64: 512, 128>}, {transform_indices = @transform_2, window_bounds = array<i64: 512, 128>}, {transform_indices = @transform_3, window_bounds = array<i64: 512, 128>}, {pipeline_mode = #tpu.pipeline_mode<synchronous>, transform_indices = @transform_4, window_bounds = array<i64: 128, 128>}, {pipeline_mode = #tpu.pipeline_mode<synchronous>, transform_indices = @transform_5, window_bounds = array<i64: 1, 128>}, {pipeline_mode = #tpu.pipeline_mode<synchronous>, transform_indices = @transform_6, window_bounds = array<i64: 128, 128>}, {pipeline_mode = #tpu.pipeline_mode<synchronous>, transform_indices = @transform_7, window_bounds = array<i64: 1, 128>}, {pipeline_mode = #tpu.pipeline_mode<synchronous>, transform_indices = @transform_8, window_bounds = array<i64: 128, 128>}, {pipeline_mode = #tpu.pipeline_mode<synchronous>, transform_indices = @transform_9, window_bounds = array<i64: 1, 128>}, {pipeline_mode = #tpu.pipeline_mode<synchronous>, transform_indices = @transform_10, window_bounds = array<i64: 1, 1>}]} {
    %jit3A = arith.constant 20 : i32
    %div3A = arith.divsi %arg0, %jit3A : i32
    %sign3A = arith.constant 0 : i32
    %sign3A_0 = arith.cmpi sgt, %arg0, %sign3A : i32
    %sign3A_1 = arith.extui %sign3A_0 : i1 to i32
    %sign3A_2 = arith.constant 0 : i32
    %sign3A_3 = arith.cmpi slt, %arg0, %sign3A_2 : i32
    %sign3A_4 = arith.extui %sign3A_3 : i1 to i32
    %sign3A_5 = arith.subi %sign3A_1, %sign3A_4 : i32
    %sign3A_6 = arith.constant 0 : i32
    %sign3A_7 = arith.cmpi sgt, %jit3A, %sign3A_6 : i32
    %sign3A_8 = arith.extui %sign3A_7 : i1 to i32
    %sign3A_9 = arith.constant 0 : i32
    %sign3A_10 = arith.cmpi slt, %jit3A, %sign3A_9 : i32
    %sign3A_11 = arith.extui %sign3A_10 : i1 to i32
    %sign3A_12 = arith.subi %sign3A_8, %sign3A_11 : i32
    %ne3A = arith.cmpi ne, %sign3A_5, %sign3A_12 : i32
    %rem3A = arith.remsi %arg0, %jit3A : i32
    %ne3A_13 = arith.constant 0 : i32
    %ne3A_14 = arith.cmpi ne, %rem3A, %ne3A_13 : i32
    %and3A = arith.andi %ne3A, %ne3A_14 : i1
    %sub3A = arith.constant 1 : i32
    %sub3A_15 = arith.subi %div3A, %sub3A : i32
    %select_n3A = arith.select %and3A, %sub3A_15, %div3A : i32
    %rem3A_16 = arith.constant 20 : i32
    %rem3A_17 = arith.remsi %arg0, %rem3A_16 : i32
    %eq3A = arith.constant 0 : i32
    %eq3A_18 = arith.cmpi eq, %arg0, %eq3A : i32
    %convert_element_type3A = arith.extui %eq3A_18 : i1 to i32
    %cond3A = arith.constant 0 : i32
    %cond3A_19 = arith.cmpi ne, %convert_element_type3A, %cond3A : i32
    scf.if %cond3A_19 {
      %broadcast_in_dim3A_70 = arith.constant 0.000000e+00 : f32
      %broadcast_in_dim3A_71 = vector.broadcast %broadcast_in_dim3A_70 : f32 to vector<8x128xf32>
      %swap3A_72 = arith.constant 0 : index
      %swap3A_73 = arith.constant 0 : index
      %swap3A_74 = vector.load %arg12[%swap3A_72, %swap3A_73] : memref<8x128xf32, #tpu.memory_space<vmem>>, vector<8x128xf32>
      tpu.vector_store %arg12[%swap3A_72, %swap3A_73], %broadcast_in_dim3A_71 {strides = array<i32>} : memref<8x128xf32, #tpu.memory_space<vmem>>, vector<8x128xf32>,
    } else {
    }
    %get3A = arith.constant 0 : index
    %get3A_20 = arith.constant 0 : index
    %get3A_21 = vector.load %arg1[%get3A, %get3A_20] : memref<512x128xf32, #tpu.memory_space<vmem>>, vector<512x128xf32>
    %get3A_22 = arith.constant 0 : index
    %get3A_23 = arith.constant 0 : index
    %get3A_24 = vector.load %arg5[%get3A_22, %get3A_23] : memref<128x128xf32, #tpu.memory_space<vmem>>, vector<128x128xf32>
    %dot_general3A = arith.constant dense<0.000000e+00> : vector<512x128xf32>
    %dot_general3A_25 = tpu.matmul %get3A_21, %get3A_24, %dot_general3A {dimension_numbers = #tpu.dot_dimension_numbers<[1], [0], [0], [1], [0, 0, 1, 1], [], []>, transpose_lhs_hint = false} : vector<512x128xf32>, vector<128x128xf32>, vector<512x128xf32> -> vector<512x128xf32>
    %get3A_26 = arith.constant 0 : index
    %get3A_27 = arith.constant 0 : index
    %get3A_28 = vector.load %arg2[%get3A_26, %get3A_27] : memref<512x128xf32, #tpu.memory_space<vmem>>, vector<512x1xf32>
    %get3A_29 = arith.constant 0 : index
    %get3A_30 = arith.constant 1 : index
    %get3A_31 = vector.load %arg2[%get3A_29, %get3A_30] : memref<512x128xf32, #tpu.memory_space<vmem>>, vector<512x1xf32>
    %mul3A = vector.broadcast %get3A_31 : vector<512x1xf32> to vector<512x128xf32>
    %mul3A_32 = arith.mulf %dot_general3A_25, %mul3A : vector<512x128xf32>
    %get3A_33 = arith.constant 0 : index
    %get3A_34 = arith.constant 0 : index
    %get3A_35 = vector.load %arg6[%get3A_33, %get3A_34] : memref<1x128xf32, #tpu.memory_space<vmem>>, vector<1x128xf32>
    %add3A = vector.broadcast %get3A_35 : vector<1x128xf32> to vector<512x128xf32>
    %add3A_36 = arith.addf %mul3A_32, %add3A : vector<512x128xf32>
    %max3A = arith.constant 0.000000e+00 : f32
    %max3A_37 = vector.broadcast %max3A : f32 to vector<512x128xf32>
    %max3A_38 = arith.maximumf %add3A_36, %max3A_37 : vector<512x128xf32>
    %get3A_39 = arith.constant 0 : index
    %get3A_40 = arith.constant 0 : index
    %get3A_41 = vector.load %arg3[%get3A_39, %get3A_40] : memref<512x128xf32, #tpu.memory_space<vmem>>, vector<512x1xf32>
    %get3A_42 = arith.constant 0 : index
    %get3A_43 = arith.constant 0 : index
    %get3A_44 = vector.load %arg4[%get3A_42, %get3A_43] : memref<512x128xf32, #tpu.memory_space<vmem>>, vector<512x1xf32>
    %add3A_45 = arith.addf %get3A_41, %get3A_44 : vector<512x1xf32>
    %iota3A = tpu.iota {dimensions = array<i32: 0>} : vector<512x1xi32>
    %mul3A_46 = arith.constant 512 : i32
    %mul3A_47 = arith.muli %rem3A_17, %mul3A_46 : i32
    %add3A_48 = vector.broadcast %mul3A_47 : i32 to vector<512x1xi32>
    %add3A_49 = arith.addi %iota3A, %add3A_48 : vector<512x1xi32>
    %lt3A = arith.constant 10000 : i32
    %lt3A_50 = vector.broadcast %lt3A : i32 to vector<512x1xi32>
    %lt3A_51 = arith.cmpi slt, %add3A_49, %lt3A_50 : vector<512x1xi32>
    %mul3A_52 = arith.mulf %add3A_45, %get3A_28 : vector<512x1xf32>
    %jit3A_53 = arith.constant 0.000000e+00 : f32
    %broadcast_in_dim3A = vector.broadcast %jit3A_53 : f32 to vector<512x1xf32>
    %select_n3A_54 = arith.select %lt3A_51, %mul3A_52, %broadcast_in_dim3A : vector<512x1xi1>, vector<512x1xf32>
    %mul3A_55 = vector.broadcast %select_n3A_54 : vector<512x1xf32> to vector<512x128xf32>
    %mul3A_56 = arith.mulf %max3A_38, %mul3A_55 : vector<512x128xf32>
    %reduce_sum3A = arith.constant dense<0.000000e+00> : vector<128xf32>
    %reduce_sum3A_57 = vector.multi_reduction <add>, %mul3A_56, %reduce_sum3A [0] : vector<512x128xf32> to vector<128xf32>
    %broadcast_in_dim3A_58 = vector.shape_cast %reduce_sum3A_57 : vector<128xf32> to vector<1x128xf32>
    %get3A_59 = arith.index_cast %select_n3A : i32 to index
    %get3A_60 = arith.constant 0 : index
    %get3A_61 = vector.load %arg12[%get3A_59, %get3A_60] : memref<8x128xf32, #tpu.memory_space<vmem>>, vector<1x128xf32>
    %add3A_62 = arith.addf %get3A_61, %broadcast_in_dim3A_58 : vector<1x128xf32>
    %swap3A = arith.index_cast %select_n3A : i32 to index
    %swap3A_63 = arith.constant 0 : index
    %swap3A_64 = vector.load %arg12[%swap3A, %swap3A_63] : memref<8x128xf32, #tpu.memory_space<vmem>>, vector<1x128xf32>
    tpu.vector_store %arg12[%swap3A, %swap3A_63], %add3A_62 {strides = array<i32>} : memref<8x128xf32, #tpu.memory_space<vmem>>, vector<1x128xf32>,
    %eq3A_65 = arith.constant 39 : i32
    %eq3A_66 = arith.cmpi eq, %arg0, %eq3A_65 : i32
    %convert_element_type3A_67 = arith.extui %eq3A_66 : i1 to i32
    %cond3A_68 = arith.constant 0 : i32
    %cond3A_69 = arith.cmpi ne, %convert_element_type3A_67, %cond3A_68 : i32
    scf.if %cond3A_69 {
      %get3A_70 = arith.constant 0 : index
      %get3A_71 = arith.constant 0 : index
      %get3A_72 = vector.load %arg9[%get3A_70, %get3A_71] : memref<128x128xf32, #tpu.memory_space<vmem>>, vector<128x128xf32>
      %reduce_sum3A_73 = arith.constant dense<0.000000e+00> : vector<128xf32>
      %reduce_sum3A_74 = vector.multi_reduction <add>, %get3A_72, %reduce_sum3A_73 [1] : vector<128x128xf32> to vector<128xf32>
      %broadcast_in_dim3A_75 = vector.shape_cast %reduce_sum3A_74 : vector<128xf32> to vector<128x1xf32>
      %get3A_76 = arith.constant 0 : index
      %get3A_77 = arith.constant 0 : index
      %get3A_78 = vector.load %arg7[%get3A_76, %get3A_77] : memref<128x128xf32, #tpu.memory_space<vmem>>, vector<128x128xf32>
      %dot_general3A_79 = arith.constant dense<0.000000e+00> : vector<128x1xf32>
      %dot_general3A_80 = tpu.matmul %get3A_78, %broadcast_in_dim3A_75, %dot_general3A_79 {dimension_numbers = #tpu.dot_dimension_numbers<[1], [0], [0], [1], [0, 0, 1, 1], [], []>, transpose_lhs_hint = false} : vector<128x128xf32>, vector<128x1xf32>, vector<128x1xf32> -> vector<128x1xf32>
      %get3A_81 = arith.constant 0 : index
      %get3A_82 = arith.constant 0 : index
      %get3A_83 = vector.load %arg8[%get3A_81, %get3A_82] : memref<1x128xf32, #tpu.memory_space<vmem>>, vector<1x128xf32>
      %dot_general3A_84 = arith.constant dense<0.000000e+00> : vector<1x1xf32>
      %dot_general3A_85 = tpu.matmul %get3A_83, %broadcast_in_dim3A_75, %dot_general3A_84 {dimension_numbers = #tpu.dot_dimension_numbers<[1], [0], [0], [1], [0, 0, 1, 1], [], []>, transpose_lhs_hint = false} : vector<1x128xf32>, vector<128x1xf32>, vector<1x1xf32> -> vector<1x1xf32>
      %mul3A_86 = arith.constant 1.000000e+04 : f32
      %mul3A_87 = vector.broadcast %mul3A_86 : f32 to vector<1x1xf32>
      %mul3A_88 = arith.mulf %dot_general3A_85, %mul3A_87 : vector<1x1xf32>
      %get3A_89 = arith.constant 0 : index
      %get3A_90 = arith.constant 0 : index
      %get3A_91 = vector.load %arg10[%get3A_89, %get3A_90] : memref<1x128xf32, #tpu.memory_space<vmem>>, vector<1x128xf32>
      %reduce_sum3A_92 = vector.shape_cast %get3A_91 : vector<1x128xf32> to vector<1x1x128xf32>
      %reduce_sum3A_93 = arith.constant dense<0.000000e+00> : vector<1xf32>
      %reduce_sum3A_94 = vector.multi_reduction <add>, %reduce_sum3A_92, %reduce_sum3A_93 [1, 2] : vector<1x1x128xf32> to vector<1xf32>
      %reduce_sum3A_95 = vector.shape_cast %reduce_sum3A_94 : vector<1xf32> to vector<1x1x1xf32>
      %reduce_sum3A_96 = vector.extract %reduce_sum3A_95[0, 0, 0] : f32 from vector<1x1x1xf32>
      %broadcast_in_dim3A_97 = vector.broadcast %reduce_sum3A_96 : f32 to vector<1x1xf32>
      %mul3A_98 = arith.constant 1.000000e+04 : f32
      %mul3A_99 = vector.broadcast %mul3A_98 : f32 to vector<1x1xf32>
      %mul3A_100 = arith.mulf %broadcast_in_dim3A_97, %mul3A_99 : vector<1x1xf32>
      %add3A_101 = arith.addf %mul3A_88, %mul3A_100 : vector<1x1xf32>
      %get3A_102 = arith.constant 0 : index
      %get3A_103 = arith.constant 0 : index
      %get3A_104 = vector.load %arg12[%get3A_102, %get3A_103] : memref<8x128xf32, #tpu.memory_space<vmem>>, vector<1x128xf32>
      %dot_general3A_105 = arith.constant dense<0.000000e+00> : vector<1x1xf32>
      %dot_general3A_106 = tpu.matmul %get3A_104, %dot_general3A_80, %dot_general3A_105 {dimension_numbers = #tpu.dot_dimension_numbers<[1], [0], [0], [1], [0, 0, 1, 1], [], []>, transpose_lhs_hint = false} : vector<1x128xf32>, vector<128x1xf32>, vector<1x1xf32> -> vector<1x1xf32>
      %add3A_107 = arith.addf %dot_general3A_106, %add3A_101 : vector<1x1xf32>
      %get3A_108 = arith.constant 1 : index
      %get3A_109 = arith.constant 0 : index
      %get3A_110 = vector.load %arg12[%get3A_108, %get3A_109] : memref<8x128xf32, #tpu.memory_space<vmem>>, vector<1x128xf32>
      %dot_general3A_111 = arith.constant dense<0.000000e+00> : vector<1x1xf32>
      %dot_general3A_112 = tpu.matmul %get3A_110, %dot_general3A_80, %dot_general3A_111 {dimension_numbers = #tpu.dot_dimension_numbers<[1], [0], [0], [1], [0, 0, 1, 1], [], []>, transpose_lhs_hint = false} : vector<1x128xf32>, vector<128x1xf32>, vector<1x1xf32> -> vector<1x1xf32>
      %add3A_113 = arith.addf %dot_general3A_112, %add3A_101 : vector<1x1xf32>
      %max3A_114 = arith.constant 0.000000e+00 : f32
      %max3A_115 = vector.broadcast %max3A_114 : f32 to vector<1x1xf32>
      %max3A_116 = arith.maximumf %add3A_107, %max3A_115 : vector<1x1xf32>
      %sub3A_117 = arith.subf %max3A_116, %add3A_107 : vector<1x1xf32>
      %abs3A = math.absf %add3A_107 : vector<1x1xf32>
      %neg3A = arith.constant 0.000000e+00 : f32
      %neg3A_118 = vector.broadcast %neg3A : f32 to vector<1x1xf32>
      %neg3A_119 = arith.subf %neg3A_118, %abs3A : vector<1x1xf32>
      %exp3A = math.exp %neg3A_119 : vector<1x1xf32>
      %log1p3A = math.log1p %exp3A : vector<1x1xf32>
      %add3A_120 = arith.addf %sub3A_117, %log1p3A : vector<1x1xf32>
      %max3A_121 = arith.constant 0.000000e+00 : f32
      %max3A_122 = vector.broadcast %max3A_121 : f32 to vector<1x1xf32>
      %max3A_123 = arith.maximumf %add3A_113, %max3A_122 : vector<1x1xf32>
      %abs3A_124 = math.absf %add3A_113 : vector<1x1xf32>
      %neg3A_125 = arith.constant 0.000000e+00 : f32
      %neg3A_126 = vector.broadcast %neg3A_125 : f32 to vector<1x1xf32>
      %neg3A_127 = arith.subf %neg3A_126, %abs3A_124 : vector<1x1xf32>
      %exp3A_128 = math.exp %neg3A_127 : vector<1x1xf32>
      %log1p3A_129 = math.log1p %exp3A_128 : vector<1x1xf32>
      %add3A_130 = arith.addf %max3A_123, %log1p3A_129 : vector<1x1xf32>
      %add3A_131 = arith.addf %add3A_120, %add3A_130 : vector<1x1xf32>
      %mul3A_132 = arith.constant 5.000000e-01 : f32
      %mul3A_133 = vector.broadcast %mul3A_132 : f32 to vector<1x1xf32>
      %mul3A_134 = arith.mulf %mul3A_133, %add3A_131 : vector<1x1xf32>
      %swap3A_135 = arith.constant 0 : index
      %swap3A_136 = arith.constant 0 : index
      %swap3A_137 = vector.load %arg11[%swap3A_135, %swap3A_136] : memref<1x1xf32, #tpu.memory_space<vmem>>, vector<1x1xf32>
      tpu.vector_store %arg11[%swap3A_135, %swap3A_136], %mul3A_134 {strides = array<i32>} : memref<1x1xf32, #tpu.memory_space<vmem>>, vector<1x1xf32>,
    } else {
    }
    return
  }
  func.func @transform_0(%arg0: i32) -> (i32, i32) {
    %c0_i32 = arith.constant 0 : i32
    %c0_i32_0 = arith.constant 0 : i32
    return %arg0, %c0_i32 : i32, i32
  }
  func.func @transform_1(%arg0: i32) -> (i32, i32) {
    %rem3A = arith.constant 20 : i32
    %rem3A_0 = arith.remsi %arg0, %rem3A : i32
    %c0_i32 = arith.constant 0 : i32
    %c0_i32_1 = arith.constant 0 : i32
    return %rem3A_0, %c0_i32 : i32, i32
  }
  func.func @transform_2(%arg0: i32) -> (i32, i32) {
    %rem3A = arith.constant 20 : i32
    %rem3A_0 = arith.remsi %arg0, %rem3A : i32
    %c0_i32 = arith.constant 0 : i32
    %c0_i32_1 = arith.constant 0 : i32
    return %rem3A_0, %c0_i32 : i32, i32
  }
  func.func @transform_3(%arg0: i32) -> (i32, i32) {
    %rem3A = arith.constant 20 : i32
    %rem3A_0 = arith.remsi %arg0, %rem3A : i32
    %add3A = arith.constant 20 : i32
    %add3A_1 = arith.addi %add3A, %rem3A_0 : i32
    %c0_i32 = arith.constant 0 : i32
    %c0_i32_2 = arith.constant 0 : i32
    return %add3A_1, %c0_i32 : i32, i32
  }
  func.func @transform_4(%arg0: i32) -> (i32, i32) {
    %c0_i32 = arith.constant 0 : i32
    %c0_i32_0 = arith.constant 0 : i32
    %c0_i32_1 = arith.constant 0 : i32
    return %c0_i32, %c0_i32_0 : i32, i32
  }
  func.func @transform_5(%arg0: i32) -> (i32, i32) {
    %c0_i32 = arith.constant 0 : i32
    %c0_i32_0 = arith.constant 0 : i32
    %c0_i32_1 = arith.constant 0 : i32
    return %c0_i32, %c0_i32_0 : i32, i32
  }
  func.func @transform_6(%arg0: i32) -> (i32, i32) {
    %c0_i32 = arith.constant 0 : i32
    %c0_i32_0 = arith.constant 0 : i32
    %c0_i32_1 = arith.constant 0 : i32
    return %c0_i32, %c0_i32_0 : i32, i32
  }
  func.func @transform_7(%arg0: i32) -> (i32, i32) {
    %c0_i32 = arith.constant 0 : i32
    %c0_i32_0 = arith.constant 0 : i32
    %c0_i32_1 = arith.constant 0 : i32
    return %c0_i32, %c0_i32_0 : i32, i32
  }
  func.func @transform_8(%arg0: i32) -> (i32, i32) {
    %c0_i32 = arith.constant 0 : i32
    %c0_i32_0 = arith.constant 0 : i32
    %c0_i32_1 = arith.constant 0 : i32
    return %c0_i32, %c0_i32_0 : i32, i32
  }
  func.func @transform_9(%arg0: i32) -> (i32, i32) {
    %c0_i32 = arith.constant 0 : i32
    %c0_i32_0 = arith.constant 0 : i32
    %c0_i32_1 = arith.constant 0 : i32
    return %c0_i32, %c0_i32_0 : i32, i32
  }
  func.func @transform_10(%arg0: i32) -> (i32, i32) {
    %c0_i32 = arith.constant 0 : i32
    %c0_i32_0 = arith.constant 0 : i32
    %c0_i32_1 = arith.constant 0 : i32
    return %c0_i32, %c0_i32_0 : i32, i32
  }
}

</mosaic_0001>

<sc_bundles>
// kernel: kernel.10.cloned.1.call-start
scs
__scs_entry_jumppad:
0x0: {  	(pc) =	sbr.rel $0x88, $3  }
0x1: {  	(tag) =	ssettag $0x0;
	lr =	simm.s32 $0x1  }
0x2: {  	[smem:$0x3F98] =	sst lr;
	_ =	strace $0xD0000000  }
0x3: {  	_ = 	snop  }
0x4: {  	_ = 	snop  }
0x5: {  	_ = 	snop  }
0x6: {  	_ = 	snop  }
0x7: {  	_ = 	snop  }
__scs_overlays_trampoline_lowered:
0x8: {  	[smem:$0x3FA7] =	sst s0  }
0x9: {  	[smem:$0x3FA8] =	sst s1  }
0xa: {  	[smem:$0x3FA9] =	sst s2  }
0xb: {  	[smem:$0x3FAA] =	sst s3  }
0xc: {  	[smem:$0x3FAB] =	sst s4  }
0xd: {  	[smem:$0x3FAC] =	sst s5  }
0xe: {  	[smem:$0x3FAD] =	sst s6  }
0xf: {  	[smem:$0x3FAE] =	sst s7  }
0x10: {  	[smem:$0x3FAF] =	sst s8  }
0x11: {  	[smem:$0x3FB0] =	sst s9;
	s0 =	simm.s32 @!p0 $0x0  }
0x12: {  	s1 =	sld [smem:$0x3F96];
	s0 =	simm.s32 @p0 $0x1  }
0x13: {  	[smem:$0x3FB1] =	sst s0;
	s0 =	simm.s32 @!p1 $0x0  }
0x14: {  	s2 =	sld [smem:$0x3F95];
	s0 =	simm.s32 @p1 $0x1  }
0x15: {  	[smem:$0x3FB2] =	sst s0;
	s0 =	simm.s32 @!p2 $0x0  }
0x16: {  	s3 =	sld [smem:$0x3FDB];
	s0 =	simm.s32 @p2 $0x1  }
0x17: {  	s4 =	simm.s32 $0x1BF5;
	[smem:$0x3FB4] =	sst s0  }
0x18: {  	s0 =	sld [smem:$0x3F97];
	_ =	swait.ge [sflag:s4], $0x0  }
0x19: {  	s7 =	sld [smem:$0x3F98]  }
0x1a: {  	s8 =	sadd.s32 $0xFFFFE003, lr  }
0x1b: {  	s9 =	sadd.s32 $0xFFFFFEF7, lr;
	s5 =	simm.s32 $0xFFFFFFFF;
	p2 =	slt.u32 s8, $0xFFFFF086  }
0x1c: {  	p1 =	slt.u32 s9, $0xF7A;
	s5 =	simm.s32 @!p2 $0x0  }
0x1d: {  	s5 =	simm.s32 @p1 $0x1;
	p0 =	seq.s32 s7, s2  }
0x1e: {  	s7 =	smul.u32 @!p0 $0xF7A, s2;
	p2 =	seq.s32 @!p0 s5, $0x0  }
0x1f: {  	s9 =	smul.u32 $0xF7A, s1;
	s8 =	simm.s32 @!p0 $0x1BF5;
	p2 =	por !p2, p0  }
0x20: {  	[sflag:s8] =	ssyncset.s32 @!p0 $0xFFFFF086;
	s6 =	sadd.s32 @!p0 s3, s7;
	s7 =	simm.s32 @!p0 $0x108  }
0x21: {  	s3 =	sadd.s32 s3, s9;
	s6 =	sadd.s32 @!p0 $0x88, s6;
	s7 =	simm.s32 @p2 $0x1082  }
0x22: {  	[simem:s7], [sflag:s8] =	dma.local @!p0 [hbm:s6], $0xF7A  }
0x23: {  	s9 =	sor.u32 $0xD0000000, s2;
	s6 =	simm.s32 $0x108;
	_ =	swait.ge @!p0 [sflag:s8], $0x0  }
0x24: {  	s3 =	sadd.s32 $0x88, s3;
	s6 =	simm.s32 @!p1 $0x1082;
	[sflag:s4] =	ssyncset.s32 $0xFFFFF086  }
0x25: {  	[simem:s6], [sflag:s4] =	dma.local [hbm:s3], $0xF7A  }
0x26: {  	[smem:$0x3F98] =	sst s1;
	(tag) =	ssettag s2;
	_ =	strace s9  }
0x27: {  	s1 =	sld [smem:$0x3FA8]  }
0x28: {  	s2 =	sld [smem:$0x3FA9]  }
0x29: {  	s4 =	sld [smem:$0x3FAB]  }
0x2a: {  	p0 =	seq.s32 s5, $0x0;
	s5 =	sld [smem:$0x3FAC]  }
0x2b: {  	s6 =	sld [smem:$0x3FAD]  }
0x2c: {  	s7 =	sld [smem:$0x3FAE]  }
0x2d: {  	s3 =	simm.s32 $0x108;
	s8 =	sld [smem:$0x3FAF]  }
0x2e: {  	s3 =	simm.s32 @!p0 $0x1082;
	s9 =	sld [smem:$0x3FB0]  }
0x2f: {  	lr =	sadd.s32 s0, s3;
	s0 =	sld [smem:$0x3FA7]  }
0x30: {  	s3 =	sld [smem:$0x3FAA]  }
0x31: {  	[smem:$0x3FB3] =	sst s10  }
0x32: {  	s10 =	sld [smem:$0x3FB1];
	_ =	sdelay $0x3  }
0x33: {  	p0 =	seq.s32 s10, $0x1;
	s10 =	sld [smem:$0x3FB3];
	_ =	sdelay $0x3  }
0x34: {  	[smem:$0x3FB3] =	sst s10  }
0x35: {  	s10 =	sld [smem:$0x3FB2];
	_ =	sdelay $0x3  }
0x36: {  	p1 =	seq.s32 s10, $0x1;
	s10 =	sld [smem:$0x3FB3];
	_ =	sdelay $0x3  }
0x37: {  	[smem:$0x3FB3] =	sst s10  }
0x38: {  	s10 =	sld [smem:$0x3FB4]  }
0x39: {  	_ = 	snop;
	(pc) =	sbr.ind lr, $3  }
0x3a: {  	_ = 	snop  }
0x3b: {  	_ = 	snop  }
0x3c: {  	p2 =	seq.s32 s10, $0x1;
	s10 =	sld [smem:$0x3FB3]  }
0x3d: {  	_ =	shalt  }
0x3e: {  	_ =	shalt  }
0x3f: {  	_ =	shalt  }
0x40: {  	_ =	shalt  }
0x41: {  	_ =	shalt  }
0x42: {  	_ =	shalt  }
0x43: {  	_ =	shalt  }
0x44: {  	_ =	shalt  }
0x45: {  	_ =	shalt  }
0x46: {  	_ =	shalt  }
0x47: {  	_ =	shalt  }
0x48: {  	_ =	shalt  }
0x49: {  	_ =	shalt  }
0x4a: {  	_ =	shalt  }
0x4b: {  	_ =	shalt  }
0x4c: {  	_ =	shalt  }
0x4d: {  	_ =	shalt  }
0x4e: {  	_ =	shalt  }
0x4f: {  	_ =	shalt  }
0x50: {  	_ =	shalt  }
0x51: {  	_ =	shalt  }
0x52: {  	_ =	shalt  }
0x53: {  	_ =	shalt  }
0x54: {  	_ =	shalt  }
0x55: {  	_ =	shalt  }
0x56: {  	_ =	shalt  }
0x57: {  	_ =	shalt  }
0x58: {  	_ =	shalt  }
0x59: {  	_ =	shalt  }
0x5a: {  	_ =	shalt  }
0x5b: {  	_ =	shalt  }
0x5c: {  	_ =	shalt  }
0x5d: {  	_ =	shalt  }
0x5e: {  	_ =	shalt  }
0x5f: {  	_ =	shalt  }
0x60: {  	_ =	shalt  }
0x61: {  	_ =	shalt  }
0x62: {  	_ =	shalt  }
0x63: {  	_ =	shalt  }
0x64: {  	_ =	shalt  }
0x65: {  	_ =	shalt  }
0x66: {  	_ =	shalt  }
0x67: {  	_ =	shalt  }
0x68: {  	_ =	shalt  }
0x69: {  	_ =	shalt  }
0x6a: {  	_ =	shalt  }
0x6b: {  	_ =	shalt  }
0x6c: {  	_ =	shalt  }
0x6d: {  	_ =	shalt  }
0x6e: {  	_ =	shalt  }
0x6f: {  	_ =	shalt  }
0x70: {  	_ =	shalt  }
0x71: {  	_ =	shalt  }
0x72: {  	_ =	shalt  }
0x73: {  	_ =	shalt  }
0x74: {  	_ =	shalt  }
0x75: {  	_ =	shalt  }
0x76: {  	_ =	shalt  }
0x77: {  	_ =	shalt  }
0x78: {  	_ =	shalt  }
0x79: {  	_ =	shalt  }
0x7a: {  	_ =	shalt  }
0x7b: {  	_ =	shalt  }
0x7c: {  	_ =	shalt  }
0x7d: {  	_ =	shalt  }
0x7e: {  	_ =	shalt  }
0x7f: {  	_ =	shalt  }
0x80: {  	_ =	shalt  }
0x81: {  	_ =	shalt  }
0x82: {  	_ =	shalt  }
0x83: {  	_ =	shalt  }
0x84: {  	_ =	shalt  }
0x85: {  	_ =	shalt  }
0x86: {  	_ =	shalt  }
0x87: {  	_ =	shalt  }
.Lfunc_end0:
.L_simem_size_0:
called_computation.1_lowered:
.L_overlay_start_0:
0x88: {  	s2 =	sld [smem:$0x3FD9]  }
0x89: {  	s3 =	sld [smem:$0x3FFE];
	_ =	sdelay $0x1  }
0x8a: {  	s1 =	srdreg.scid  }
0x8b: {  	s0 =	sand.u32 $0x1, s1  }
0x8c: {  	s16 =	sshll.u32 s0, $0xA;
	s2 =	sadd.s32 s3, s2  }
0x8d: {  	s2 =	sadd.s32 s2, s16  }
0x8e: {  	[smem:$0x3FBF] =	sst s2  }
0x8f: {  	_ = 	snop  }
0x90: {  	(tm) =	ssettm $0x1  }
0x91: {  	s17 =	sld [smem:$0x3FFB];
	_ =	sdelay $0x3  }
0x92: {  	_ =	strace s17  }
0x93: {  	s2 =	sld [smem:$0x3FFC];
	_ =	sdelay $0x3  }
0x94: {  	_ =	strace s2  }
0x95: {  	s2 =	sld [smem:$0x3FFD];
	_ =	sdelay $0x3  }
0x96: {  	_ =	strace s2  }
0x97: {  	_ =	strace $0x8FFFFFFF  }
0x98: {  	s18 =	sld [smem:$0x3FDB];
	_ =	sdelay $0x1  }
0x99: {  	s19 =	simm.s32 $_scs_section_size  }
0x9a: {  	s4 =	simm.s32 $_size__tile_overlayer_lowered;
	s5 =	simm.s32 $_tile_overlayer_lowered  }
0x9b: {  	s22 =	simm.s32 $0x1BFF;
	s21 =	sshll.u32 s5, $0x1;
	s2 =	sadd.s32 s19, s18  }
0x9c: {  	s6 =	simm.s32 $0x0;
	s20 =	sshll.u32 s4, $0x1;
	s4 =	sadd.s32 s21, s2  }
0x9d: {  	[timem:s6], [sflag:s22] =	dma.local [hbm:s4], s20  }
0x9e: {  	_ =	swait.ge [sflag:s22], s20  }
0x9f: {  	s3 =	ssub.s32 $0x0, s20;
	[sflag:s22] =	ssyncset.done $0x0  }
0xa0: {  	[sflag:s22] =	ssyncadd.s32 s3;
	_ =	sdelay $0x1  }
0xa1: {  	s23 =	simm.s32 $0x1B8B  }
0xa2: {  	_ =	swait.ge [sflag:s23], $0x1  }
0xa3: {  	[sflag:s23] =	ssyncset.done $0x0  }
0xa4: {  	s25 =	simm.s32 $0x1B8E;
	s24 =	sld [smem:$0x3FFE];
	[sflag:s23] =	ssyncadd.s32 $0xFFFFFFFF  }
0xa5: {  	s26 =	simm.s32 $execute0_lowered;
	[smem:$0x3FD2] =	sst s25  }
0xa6: {  	s4 =	sshll.u32 s26, $0x1;
	_ =	strace $0x80000049;
	[dreg:$0x1] =	wrdreg $0xFFFFFFFF  }
0xa7: {  	s28 =	simm.s32 $_size_execute0_lowered;
	s2 =	sadd.s32 s2, s4;
	[dreg:$0x0] =	wrdreg $0x0  }
0xa8: {  	s4 =	sshll.u32 s28, $0x1;
	[dreg:$0x2] =	wrdreg s2  }
0xa9: {  	[dreg:$0x3] =	wrdreg s4  }
0xaa: {  	[dreg:$0x4] =	wrdreg $0xC0  }
0xab: {  	_ =	task [dreg:s6], $0x5FFFF  }
0xac: {  	[dreg:$0x1] =	wrdreg $0xFFFFFFFF  }
0xad: {  	[dreg:$0x0] =	wrdreg $0x60  }
0xae: {  	[dreg:$0x2] =	wrdreg s24  }
0xaf: {  	[dreg:$0x3] =	wrdreg $0x41000  }
0xb0: {  	[dreg:$0x4] =	wrdreg $0x9  }
0xb1: {  	_ =	task.clear_ibuf [dreg:s6], $0x5FFFF;
	_ =	strace $0x90000049  }
0xb2: {  	s29 =	simm.s32 $0x9;
	_ =	strace $0x8000004B  }
0xb3: {  	_ =	swait.ge [sflag:s29], $0x1  }
0xb4: {  	[sflag:s29] =	ssyncadd.s32 $0xFFFFFFFF  }
0xb5: {  	_ =	strace $0x9000004B  }
0xb6: {  	_ =	sfence  }
0xb7: {  	s30 =	sld [smem:$0x0];
	_ =	sdelay $0x2  }
0xb8: {  	s31 =	sshll.u32 s1, $0xD;
	s1 =	sshrl.u32 s1, $0x2  }
0xb9: {  	s3 =	sand.u32 $0x4000, s31;
	s1 =	sadd.s32 s1, s30  }
0xba: {  	s0 =	sor.u32 s3, s0;
	s1 =	sshll.u32 s1, $0x11  }
0xbb: {  	s0 =	sor.u32 s1, s0  }
0xbc: {  	s0 =	sadd.s32 $0x8F2B, s0  }
0xbd: {  	[sflag:s0] =	ssyncadd.remote.s32 $0x1  }
0xbe: {  	_ =	sfence.sel $0xFFFF  }
0xbf: {  	[dreg:$0x0] =	wrdreg $0xFFFFFFFF;
	(pc) =	sbr.abs _section_cstart, $3  }
0xc0: {  	[dreg:$0x1] =	wrdreg $0xFFFFFFFF  }
0xc1: {  	_ =	task.clear_ibuf [dreg:s6], $0x2FFFF;
	_ =	strace $0x9FFFFFFF  }
0xc2: {  	(tm) =	ssettm $0x7FFFFFFF  }
0xc3: {  	_ =	shalt  }
tec
execute0_lowered:
.L_overlay_start_1:
0x0: {  	(tag) =	ssettag $0x1  }
0x1: {  	s5 =	rddreg [dreg:$0x0]  }
0x2: {  	s0 =	srdreg.scid;
	s2 =	rddreg [dreg:$0x1]  }
0x3: {  	s1 =	rddreg [dreg:$0x2];
	s6 =	sand.u32 $0x1, s0  }
0x4: {  	s3 =	simm.s32 $0x0;
	s0 =	stileid.u32;
	s4 =	smul.u32 $0x27800, s6  }
0x5: {  	s14 =	simm.s32 $0x100;
	s15 =	simm.s32 $0x2;
	s7 =	smul.u32 $0x2780, s0  }
0x6: {  	s16 =	simm.s32 $0x80;
	s17 =	simm.s32 $0x1;
	s28 =	smul.u32 $0x28000, s6  }
0x7: {  	s20 =	simm.s32 $0x0;
	[smem:$0x7FF] =	sst s3;
	s8 =	smul.u32 $0x2800, s0  }
0x8: {  	s9 =	smul.u32 $0x50000, s0;
	s6 =	ssub.s32 $0x2, s6;
	s18 =	sshll.u32 s0, $0x6  }
0x9: {  	_ =	strace $0x8000004A;
	s29 =	sshrl.u32 s6, $0x1;
	s18 =	sor.u32 $0x1C02, s18  }
0xa: {  	s4 =	sadd.s32 s7, s4;
	s7 =	sadd.s32 s8, s28;
	s30 =	sshrl.u32 s9, $0x2  }
0xb: {  	s31 =	ssub.s32 s6, s29;
	s4 =	sshrl.u32 s4, $0x3;
	s7 =	sadd.s32 s7, s5  }
0xc: {  	s13 =	sadd.s32 s4, s5;
	s4 =	sadd.s32 $0x2A00, s5;
	s5 =	sadd.s32 s30, s2  }
0xd: {  	s6 =	sadd.s32 $0xCA200, s7;
	s7 =	smax.u32 s31, $0x1;
	s8 =	sadd.s32 $0x4000, s5  }
0xe: {  	s9 =	sadd.s32 $0x8000, s5;
	s10 =	sadd.s32 $0xC000, s5;
	s11 =	sadd.s32 $0x10000, s5  }
0xf: {  	v0 =	vimm.f32 $0.0e+00;
	s12 =	sadd.s32 $0x66600, s13;
	s13 =	sadd.s32 $0x70400, s13;
	s19 =	sshrl.u32 s5, $0x3  }
.LBB2_1:
0x10: {  	s21 =	simm.s32 $0x0;
	s22 =	simm.s32 $0x200  }
.LBB2_2:
0x11: {  	p0 =	sne.s32 s22, $0xFE00;
	[tilespmem:s21+$0x170] =	vst v0  }
0x12: {  	[tilespmem:s21+$0x100] =	vst v0  }
0x13: {  	[tilespmem:s21+$0x110] =	vst v0  }
.Ltmp0:
0x14: {  	[tilespmem:s21+$0x120] =	vst v0;
	(pc) =	sbr.rel @p0 .LBB2_2-.Ltmp0, $4  }
0x15: {  	[tilespmem:s21+$0x130] =	vst v0  }
0x16: {  	[tilespmem:s21+$0x140] =	vst v0  }
0x17: {  	[tilespmem:s21+$0x150] =	vst v0  }
0x18: {  	[tilespmem:s21+$0x160] =	vst v0;
	s21 =	sshra.s32 s22, $0x2;
	s22 =	sadd.s32 $0x200, s22  }
0x19: {  	[tilespmem:s21+$0x170] =	vst v0  }
0x1a: {  	[tilespmem:s21+$0x100] =	vst v0  }
0x1b: {  	[tilespmem:s21+$0x110] =	vst v0  }
0x1c: {  	[tilespmem:s21+$0x120] =	vst v0  }
0x1d: {  	[tilespmem:s21+$0x130] =	vst v0  }
0x1e: {  	[tilespmem:s21+$0x140] =	vst v0  }
0x1f: {  	[tilespmem:s21+$0x150] =	vst v0  }
0x20: {  	[tilespmem:s21+$0x160] =	vst v0  }
0x21: {  	[spmem:s5] =	stream.linear.scatter [tilespmem:s14], [sflag:$0x2], $0x4000, $0x38;
	[tilespmem:$0x18100] =	vst v63  }
0x22: {  	_ =	swait.ge [sflag:s15], $0x4000  }
0x23: {  	[sflag:s15] =	ssyncset.done $0x0  }
0x24: {  	[sflag:s15] =	ssyncadd.s32 $0xFFFFC000  }
0x25: {  	[spmem:s8] =	stream.linear.scatter [tilespmem:s14], [sflag:$0x2], $0x4000, $0x38;
	[tilespmem:$0x18100] =	vst v63  }
0x26: {  	_ =	swait.ge [sflag:s15], $0x4000  }
0x27: {  	[sflag:s15] =	ssyncset.done $0x0  }
0x28: {  	[sflag:s15] =	ssyncadd.s32 $0xFFFFC000  }
0x29: {  	[spmem:s9] =	stream.linear.scatter [tilespmem:s14], [sflag:$0x2], $0x4000, $0x38;
	[tilespmem:$0x18100] =	vst v63  }
0x2a: {  	_ =	swait.ge [sflag:s15], $0x4000  }
0x2b: {  	[sflag:s15] =	ssyncset.done $0x0  }
0x2c: {  	[sflag:s15] =	ssyncadd.s32 $0xFFFFC000  }
0x2d: {  	[spmem:s10] =	stream.linear.scatter [tilespmem:s14], [sflag:$0x2], $0x4000, $0x38;
	[tilespmem:$0x18100] =	vst v63  }
0x2e: {  	_ =	swait.ge [sflag:s15], $0x4000  }
0x2f: {  	[sflag:s15] =	ssyncset.done $0x0  }
0x30: {  	[sflag:s15] =	ssyncadd.s32 $0xFFFFC000  }
0x31: {  	[spmem:s11] =	stream.linear.scatter [tilespmem:s14], [sflag:$0x2], $0x4000, $0x38;
	[tilespmem:$0x18100] =	vst v63  }
0x32: {  	_ =	swait.ge [sflag:s15], $0x4000  }
0x33: {  	[sflag:s15] =	ssyncset.done $0x0  }
0x34: {  	[sflag:s15] =	ssyncadd.s32 $0xFFFFC000  }
0x35: {  	s30 =	sadd.s32 $0x0, s13;
	[bflag:$0x0] =	sbarrier.arrive $0xFFFF  }
0x36: {  	[tilespmem:s16], [sflag:$0x2] =	stream.linear.gather [hbm4b:s30+s3], $0x80, $0x38;
	[tilespmem:$0x18100] =	vst v63  }
0x37: {  	_ =	swait.ge [sflag:s15], $0x80  }
0x38: {  	[sflag:s15] =	ssyncset.done $0x0  }
0x39: {  	s31 =	sadd.s32 $0x0, s12;
	[sflag:s15] =	ssyncadd.s32 $0xFFFFFF80  }
0x3a: {  	[tilespmem:s3], [sflag:$0x2] =	stream.linear.gather [hbm4b:s31+s3], $0x80, $0x38;
	[tilespmem:$0x18100] =	vst v63  }
0x3b: {  	_ =	swait.ge [sflag:s15], $0x80  }
0x3c: {  	[sflag:s15] =	ssyncset.done $0x0  }
0x3d: {  	[sflag:s15] =	ssyncadd.s32 $0xFFFFFF80  }
0x3e: {  	[tilespmem:s14], [sflag:$0x1] =	stream.indirect.gather [hbm4b:s4+s16], $0x80, s16, s16, $0xb8;
	[tilespmem:$0x18100] =	vst v63  }
0x3f: {  	_ =	swait.ge [sflag:s17], $0x4000  }
0x40: {  	[sflag:s17] =	ssyncset.done $0x0  }
0x41: {  	[sflag:s17] =	ssyncadd.s32 $0xFFFFC000  }
0x42: {  	[spmem:s2] =	stream.indirect.scatter.add.f32 [tilespmem:s14], [sflag:$0x2], $0x80, s3, s16, $0xb8;
	[tilespmem:$0x18100] =	vst v63  }
0x43: {  	_ =	swait.ge [sflag:s15], $0x4000  }
0x44: {  	s21 =	simm.s32 $0x10;
	s22 =	simm.s32 $0x20;
	[sflag:s15] =	ssyncset.done $0x0  }
.LBB2_4:
0x45: {  	s23 =	sadd.s32 s21, s13  }
0x46: {  	[sflag:s15] =	ssyncadd.s32 $0xFFFFC000;
	s24 =	smov.u32 s22;
	s25 =	sadd.s32 $0x10, s22  }
0x47: {  	[tilespmem:s16], [sflag:$0x2] =	stream.linear.gather [hbm4b:s23+s3], $0x80, $0x38;
	[tilespmem:$0x18100] =	vst v63  }
0x48: {  	p0 =	sne.s32 s22, $0x4E0;
	_ =	swait.ge [sflag:s15], $0x80  }
0x49: {  	[sflag:s15] =	ssyncset.done $0x0  }
0x4a: {  	s22 =	sadd.s32 s21, s12;
	s21 =	smov.u32 s24;
	[sflag:s15] =	ssyncadd.s32 $0xFFFFFF80  }
0x4b: {  	[tilespmem:s3], [sflag:$0x2] =	stream.linear.gather [hbm4b:s22+s3], $0x80, $0x38;
	[tilespmem:$0x18100] =	vst v63  }
0x4c: {  	_ =	swait.ge [sflag:s15], $0x80  }
0x4d: {  	[sflag:s15] =	ssyncset.done $0x0  }
0x4e: {  	[sflag:s15] =	ssyncadd.s32 $0xFFFFFF80  }
0x4f: {  	[tilespmem:s14], [sflag:$0x1] =	stream.indirect.gather [hbm4b:s4+s16], $0x80, s16, s16, $0xb8;
	[tilespmem:$0x18100] =	vst v63  }
0x50: {  	_ =	swait.ge [sflag:s17], $0x4000  }
.Ltmp1:
0x51: {  	[sflag:s17] =	ssyncset.done $0x0;
	(pc) =	sbr.rel @p0 .LBB2_4-.Ltmp1, $4  }
0x52: {  	[sflag:s17] =	ssyncadd.s32 $0xFFFFC000  }
0x53: {  	[spmem:s2] =	stream.indirect.scatter.add.f32 [tilespmem:s14], [sflag:$0x2], $0x80, s3, s16, $0xb8;
	[tilespmem:$0x18100] =	vst v63  }
0x54: {  	_ =	swait.ge [sflag:s15], $0x4000  }
0x55: {  	s22 =	smov.u32 s25;
	[sflag:s15] =	ssyncset.done $0x0  }
0x56: {  	s22 =	sadd.s32 s21, s13;
	[sflag:s15] =	ssyncadd.s32 $0xFFFFC000  }
0x57: {  	[tilespmem:s16], [sflag:$0x2] =	stream.linear.gather [hbm4b:s22+s3], $0x80, $0x38;
	[tilespmem:$0x18100] =	vst v63  }
0x58: {  	_ =	swait.ge [sflag:s15], $0x80  }
0x59: {  	[sflag:s15] =	ssyncset.done $0x0  }
0x5a: {  	s31 =	sadd.s32 s21, s12;
	[sflag:s15] =	ssyncadd.s32 $0xFFFFFF80  }
0x5b: {  	[tilespmem:s3], [sflag:$0x2] =	stream.linear.gather [hbm4b:s31+s3], $0x80, $0x38;
	[tilespmem:$0x18100] =	vst v63  }
0x5c: {  	_ =	swait.ge [sflag:s15], $0x80  }
0x5d: {  	[sflag:s15] =	ssyncset.done $0x0  }
0x5e: {  	[sflag:s15] =	ssyncadd.s32 $0xFFFFFF80  }
0x5f: {  	[tilespmem:s14], [sflag:$0x1] =	stream.indirect.gather [hbm4b:s4+s16], $0x80, s16, s16, $0xb8;
	[tilespmem:$0x18100] =	vst v63  }
0x60: {  	_ =	swait.ge [sflag:s17], $0x4000  }
0x61: {  	[sflag:s17] =	ssyncset.done $0x0  }
0x62: {  	[sflag:s17] =	ssyncadd.s32 $0xFFFFC000  }
0x63: {  	[spmem:s2] =	stream.indirect.scatter.add.f32 [tilespmem:s14], [sflag:$0x2], $0x80, s3, s16, $0xb8;
	[tilespmem:$0x18100] =	vst v63  }
0x64: {  	_ =	swait.ge [sflag:s15], $0x4000  }
0x65: {  	s20 =	sadd.s32 $0x1, s20;
	[sflag:s15] =	ssyncset.done $0x0  }
0x66: {  	p0 =	sne.s32 s20, s7;
	[sflag:s15] =	ssyncadd.s32 $0xFFFFC000  }
.Ltmp2:
0x67: {  	[bflag:$0x0] =	sbarrier.arrive $0xFFFF;
	(pc) =	sbr.rel @p0 .LBB2_1-.Ltmp2, $4  }
0x68: {  	[hbm:s6], [sflag:s18] =	dma.local [spmem:s19], $0x2800  }
0x69: {  	_ =	swait.ge [sflag:s15], $0x2800  }
0x6a: {  	[sflag:s15] =	ssyncset.done $0x0  }
0x6b: {  	[sflag:s15] =	ssyncadd.s32 $0xFFFFD800  }
0x6c: {  	_ =	sfence.sel $0x180000  }
0x6d: {  	[bflag:$0x0] =	sbarrier.arrive $0xFFFF  }
0x6e: {  	p0 =	sne.s32 s0, $0x0;
	_ =	strace $0x9000004A  }
0x6f: {  	s0 =	sadd.s32 @!p0 $0x100000, s1;
	[bflag:$0x2] =	sbarrier.arrive $0xFFFF  }
0x70: {  	[sflag:s0] =	ssyncadd.tile.s32 @!p0 $0x1;
	_ =	shalt  }
.Lfunc_end2:
_tile_overlayer_lowered:
.L_overlay_start_2:
0x71: {  	(tag) =	ssettag $0x2  }
0x72: {  	s0 =	rddreg [dreg:$0x0];
	s2 =	stileid.u32  }
0x73: {  	s1 =	rddreg [dreg:$0x1];
	p0 =	sne.s32 s2, $0x0  }
0x74: {  	s3 =	rddreg [dreg:$0x2];
	[bflag:$0x3] =	sbarrier.arrive $0xFFFF;
	s2 =	simm.s32 @!p0 $0x1C02  }
0x75: {  	[timem:s3], [sflag:s2] =	dma.local @!p0 [hbm:s0], s1  }
0x76: {  	s0 =	simm.s32 @!p0 $0x2  }
0x77: {  	_ =	swait.ge @!p0 [sflag:s0], s1  }
0x78: {  	s1 =	ssub.s32 @!p0 $0x0, s1;
	[sflag:s0] =	ssyncset.done @!p0 $0x0  }
0x79: {  	[sflag:s0] =	ssyncadd.s32 @!p0 s1  }
0x7a: {  	[bflag:$0x3] =	sbarrier.arrive $0xFFFF  }
0x7b: {  	_ =	shalt  }

// kernel: kernel.13.cloned.1.call-start
scs
__scs_entry_jumppad:
0x0: {  	(pc) =	sbr.rel $0x88, $3  }
0x1: {  	(tag) =	ssettag $0x0;
	lr =	simm.s32 $0x1  }
0x2: {  	[smem:$0x3F98] =	sst lr;
	_ =	strace $0xD0000000  }
0x3: {  	_ = 	snop  }
0x4: {  	_ = 	snop  }
0x5: {  	_ = 	snop  }
0x6: {  	_ = 	snop  }
0x7: {  	_ = 	snop  }
__scs_overlays_trampoline_lowered:
0x8: {  	[smem:$0x3FA7] =	sst s0  }
0x9: {  	[smem:$0x3FA8] =	sst s1  }
0xa: {  	[smem:$0x3FA9] =	sst s2  }
0xb: {  	[smem:$0x3FAA] =	sst s3  }
0xc: {  	[smem:$0x3FAB] =	sst s4  }
0xd: {  	[smem:$0x3FAC] =	sst s5  }
0xe: {  	[smem:$0x3FAD] =	sst s6  }
0xf: {  	[smem:$0x3FAE] =	sst s7  }
0x10: {  	[smem:$0x3FAF] =	sst s8  }
0x11: {  	[smem:$0x3FB0] =	sst s9;
	s0 =	simm.s32 @!p0 $0x0  }
0x12: {  	s1 =	sld [smem:$0x3F96];
	s0 =	simm.s32 @p0 $0x1  }
0x13: {  	[smem:$0x3FB1] =	sst s0;
	s0 =	simm.s32 @!p1 $0x0  }
0x14: {  	s2 =	sld [smem:$0x3F95];
	s0 =	simm.s32 @p1 $0x1  }
0x15: {  	[smem:$0x3FB2] =	sst s0;
	s0 =	simm.s32 @!p2 $0x0  }
0x16: {  	s3 =	sld [smem:$0x3FDB];
	s0 =	simm.s32 @p2 $0x1  }
0x17: {  	s4 =	simm.s32 $0x1BF5;
	[smem:$0x3FB4] =	sst s0  }
0x18: {  	s0 =	sld [smem:$0x3F97];
	_ =	swait.ge [sflag:s4], $0x0  }
0x19: {  	s7 =	sld [smem:$0x3F98]  }
0x1a: {  	s8 =	sadd.s32 $0xFFFFE003, lr  }
0x1b: {  	s9 =	sadd.s32 $0xFFFFFEF7, lr;
	s5 =	simm.s32 $0xFFFFFFFF;
	p2 =	slt.u32 s8, $0xFFFFF086  }
0x1c: {  	p1 =	slt.u32 s9, $0xF7A;
	s5 =	simm.s32 @!p2 $0x0  }
0x1d: {  	s5 =	simm.s32 @p1 $0x1;
	p0 =	seq.s32 s7, s2  }
0x1e: {  	s7 =	smul.u32 @!p0 $0xF7A, s2;
	p2 =	seq.s32 @!p0 s5, $0x0  }
0x1f: {  	s9 =	smul.u32 $0xF7A, s1;
	s8 =	simm.s32 @!p0 $0x1BF5;
	p2 =	por !p2, p0  }
0x20: {  	[sflag:s8] =	ssyncset.s32 @!p0 $0xFFFFF086;
	s6 =	sadd.s32 @!p0 s3, s7;
	s7 =	simm.s32 @!p0 $0x108  }
0x21: {  	s3 =	sadd.s32 s3, s9;
	s6 =	sadd.s32 @!p0 $0x88, s6;
	s7 =	simm.s32 @p2 $0x1082  }
0x22: {  	[simem:s7], [sflag:s8] =	dma.local @!p0 [hbm:s6], $0xF7A  }
0x23: {  	s9 =	sor.u32 $0xD0000000, s2;
	s6 =	simm.s32 $0x108;
	_ =	swait.ge @!p0 [sflag:s8], $0x0  }
0x24: {  	s3 =	sadd.s32 $0x88, s3;
	s6 =	simm.s32 @!p1 $0x1082;
	[sflag:s4] =	ssyncset.s32 $0xFFFFF086  }
0x25: {  	[simem:s6], [sflag:s4] =	dma.local [hbm:s3], $0xF7A  }
0x26: {  	[smem:$0x3F98] =	sst s1;
	(tag) =	ssettag s2;
	_ =	strace s9  }
0x27: {  	s1 =	sld [smem:$0x3FA8]  }
0x28: {  	s2 =	sld [smem:$0x3FA9]  }
0x29: {  	s4 =	sld [smem:$0x3FAB]  }
0x2a: {  	p0 =	seq.s32 s5, $0x0;
	s5 =	sld [smem:$0x3FAC]  }
0x2b: {  	s6 =	sld [smem:$0x3FAD]  }
0x2c: {  	s7 =	sld [smem:$0x3FAE]  }
0x2d: {  	s3 =	simm.s32 $0x108;
	s8 =	sld [smem:$0x3FAF]  }
0x2e: {  	s3 =	simm.s32 @!p0 $0x1082;
	s9 =	sld [smem:$0x3FB0]  }
0x2f: {  	lr =	sadd.s32 s0, s3;
	s0 =	sld [smem:$0x3FA7]  }
0x30: {  	s3 =	sld [smem:$0x3FAA]  }
0x31: {  	[smem:$0x3FB3] =	sst s10  }
0x32: {  	s10 =	sld [smem:$0x3FB1];
	_ =	sdelay $0x3  }
0x33: {  	p0 =	seq.s32 s10, $0x1;
	s10 =	sld [smem:$0x3FB3];
	_ =	sdelay $0x3  }
0x34: {  	[smem:$0x3FB3] =	sst s10  }
0x35: {  	s10 =	sld [smem:$0x3FB2];
	_ =	sdelay $0x3  }
0x36: {  	p1 =	seq.s32 s10, $0x1;
	s10 =	sld [smem:$0x3FB3];
	_ =	sdelay $0x3  }
0x37: {  	[smem:$0x3FB3] =	sst s10  }
0x38: {  	s10 =	sld [smem:$0x3FB4]  }
0x39: {  	_ = 	snop;
	(pc) =	sbr.ind lr, $3  }
0x3a: {  	_ = 	snop  }
0x3b: {  	_ = 	snop  }
0x3c: {  	p2 =	seq.s32 s10, $0x1;
	s10 =	sld [smem:$0x3FB3]  }
0x3d: {  	_ =	shalt  }
0x3e: {  	_ =	shalt  }
0x3f: {  	_ =	shalt  }
0x40: {  	_ =	shalt  }
0x41: {  	_ =	shalt  }
0x42: {  	_ =	shalt  }
0x43: {  	_ =	shalt  }
0x44: {  	_ =	shalt  }
0x45: {  	_ =	shalt  }
0x46: {  	_ =	shalt  }
0x47: {  	_ =	shalt  }
0x48: {  	_ =	shalt  }
0x49: {  	_ =	shalt  }
0x4a: {  	_ =	shalt  }
0x4b: {  	_ =	shalt  }
0x4c: {  	_ =	shalt  }
0x4d: {  	_ =	shalt  }
0x4e: {  	_ =	shalt  }
0x4f: {  	_ =	shalt  }
0x50: {  	_ =	shalt  }
0x51: {  	_ =	shalt  }
0x52: {  	_ =	shalt  }
0x53: {  	_ =	shalt  }
0x54: {  	_ =	shalt  }
0x55: {  	_ =	shalt  }
0x56: {  	_ =	shalt  }
0x57: {  	_ =	shalt  }
0x58: {  	_ =	shalt  }
0x59: {  	_ =	shalt  }
0x5a: {  	_ =	shalt  }
0x5b: {  	_ =	shalt  }
0x5c: {  	_ =	shalt  }
0x5d: {  	_ =	shalt  }
0x5e: {  	_ =	shalt  }
0x5f: {  	_ =	shalt  }
0x60: {  	_ =	shalt  }
0x61: {  	_ =	shalt  }
0x62: {  	_ =	shalt  }
0x63: {  	_ =	shalt  }
0x64: {  	_ =	shalt  }
0x65: {  	_ =	shalt  }
0x66: {  	_ =	shalt  }
0x67: {  	_ =	shalt  }
0x68: {  	_ =	shalt  }
0x69: {  	_ =	shalt  }
0x6a: {  	_ =	shalt  }
0x6b: {  	_ =	shalt  }
0x6c: {  	_ =	shalt  }
0x6d: {  	_ =	shalt  }
0x6e: {  	_ =	shalt  }
0x6f: {  	_ =	shalt  }
0x70: {  	_ =	shalt  }
0x71: {  	_ =	shalt  }
0x72: {  	_ =	shalt  }
0x73: {  	_ =	shalt  }
0x74: {  	_ =	shalt  }
0x75: {  	_ =	shalt  }
0x76: {  	_ =	shalt  }
0x77: {  	_ =	shalt  }
0x78: {  	_ =	shalt  }
0x79: {  	_ =	shalt  }
0x7a: {  	_ =	shalt  }
0x7b: {  	_ =	shalt  }
0x7c: {  	_ =	shalt  }
0x7d: {  	_ =	shalt  }
0x7e: {  	_ =	shalt  }
0x7f: {  	_ =	shalt  }
0x80: {  	_ =	shalt  }
0x81: {  	_ =	shalt  }
0x82: {  	_ =	shalt  }
0x83: {  	_ =	shalt  }
0x84: {  	_ =	shalt  }
0x85: {  	_ =	shalt  }
0x86: {  	_ =	shalt  }
0x87: {  	_ =	shalt  }
.Lfunc_end0:
.L_simem_size_0:
called_computation.2_lowered:
.L_overlay_start_0:
0x88: {  	s2 =	sld [smem:$0x3FD9]  }
0x89: {  	s3 =	sld [smem:$0x3FFE];
	_ =	sdelay $0x1  }
0x8a: {  	s1 =	srdreg.scid  }
0x8b: {  	s0 =	sand.u32 $0x1, s1  }
0x8c: {  	s17 =	sshll.u32 s0, $0xA;
	s2 =	sadd.s32 s3, s2  }
0x8d: {  	s2 =	sadd.s32 s2, s17  }
0x8e: {  	[smem:$0x3FBF] =	sst s2  }
0x8f: {  	_ = 	snop  }
0x90: {  	(tm) =	ssettm $0x1  }
0x91: {  	s18 =	sld [smem:$0x3FFB];
	_ =	sdelay $0x3  }
0x92: {  	_ =	strace s18  }
0x93: {  	s2 =	sld [smem:$0x3FFC];
	_ =	sdelay $0x3  }
0x94: {  	_ =	strace s2  }
0x95: {  	s2 =	sld [smem:$0x3FFD];
	_ =	sdelay $0x3  }
0x96: {  	_ =	strace s2  }
0x97: {  	_ =	strace $0x8FFFFFFF  }
0x98: {  	s19 =	sld [smem:$0x3FDB];
	_ =	sdelay $0x1  }
0x99: {  	s20 =	simm.s32 $_scs_section_size  }
0x9a: {  	s4 =	simm.s32 $_size__tile_overlayer_lowered;
	s5 =	simm.s32 $_tile_overlayer_lowered  }
0x9b: {  	s6 =	simm.s32 $0x1BFF;
	s21 =	sshll.u32 s5, $0x1;
	s3 =	sadd.s32 s20, s19  }
0x9c: {  	s22 =	simm.s32 $0x0;
	s4 =	sshll.u32 s4, $0x1;
	s5 =	sadd.s32 s21, s3  }
0x9d: {  	[timem:s22], [sflag:s6] =	dma.local [hbm:s5], s4  }
0x9e: {  	_ =	swait.ge [sflag:s6], s4  }
0x9f: {  	s4 =	ssub.s32 $0x0, s4;
	[sflag:s6] =	ssyncset.done $0x0  }
0xa0: {  	[sflag:s6] =	ssyncadd.s32 s4;
	_ =	sdelay $0x1  }
0xa1: {  	s23 =	simm.s32 $0x1B8B  }
0xa2: {  	_ =	swait.ge [sflag:s23], $0x1  }
0xa3: {  	[sflag:s23] =	ssyncset.done $0x0  }
0xa4: {  	[sflag:s23] =	ssyncadd.s32 $0xFFFFFFFF  }
0xa5: {  	s4 =	sld [smem:$0x0]  }
0xa6: {  	s5 =	sand.u32 $0xFFFFFFFE, s1  }
0xa7: {  	p0 =	sne.s32 s1, s5  }
0xa8: {  	s5 =	sshll.u32 @p0 s5, $0xE  }
0xa9: {  	s5 =	sadd.s32 @p0 $0x11B8D, s5;
	s6 =	sshll.u32 @p0 s4, $0x11  }
0xaa: {  	s5 =	sor.u32 @p0 s6, s5  }
0xab: {  	[sflag:s5] =	ssyncadd.remote.s32 @p0 $0x1;
	_ =	sdelay $0x1  }
0xac: {  	s5 =	simm.s32 @p0 $0x1B8D  }
0xad: {  	_ =	swait.eq @p0 [sflag:s5], $0x1  }
0xae: {  	[sflag:s5] =	ssyncadd.s32 @p0 $0xFFFFFFFF  }
0xaf: {  	s6 =	sshll.u32 @!p0 s1, $0xE  }
0xb0: {  	s6 =	sor.u32 @!p0 $0x4000, s6;
	s5 =	simm.s32 @!p0 $0x1B8D  }
0xb1: {  	s4 =	sshll.u32 @!p0 s4, $0x11;
	s6 =	sadd.s32 @!p0 $0x11B8D, s6;
	_ =	swait.eq @!p0 [sflag:s5], $0x1  }
0xb2: {  	s4 =	sor.u32 @!p0 s4, s6;
	[sflag:s5] =	ssyncadd.s32 @!p0 $0xFFFFFFFF  }
0xb3: {  	s25 =	simm.s32 $0x1B8E;
	s24 =	sld [smem:$0x3FFE];
	[sflag:s4] =	ssyncadd.remote.s32 @!p0 $0x1  }
0xb4: {  	s26 =	simm.s32 $execute0_lowered;
	[smem:$0x3FD2] =	sst s25  }
0xb5: {  	s5 =	sshll.u32 s26, $0x1;
	_ =	strace $0x8000004C;
	[dreg:$0x1] =	wrdreg $0xFFFFFFFF  }
0xb6: {  	s28 =	simm.s32 $_size_execute0_lowered;
	s3 =	sadd.s32 s3, s5;
	[dreg:$0x0] =	wrdreg $0x0  }
0xb7: {  	s5 =	sshll.u32 s28, $0x1;
	[dreg:$0x2] =	wrdreg s3  }
0xb8: {  	[dreg:$0x3] =	wrdreg s5  }
0xb9: {  	[dreg:$0x4] =	wrdreg $0xC0  }
0xba: {  	_ =	task [dreg:s22], $0x5FFFF  }
0xbb: {  	[dreg:$0x1] =	wrdreg $0xFFFFFFFF  }
0xbc: {  	[dreg:$0x0] =	wrdreg $0x60  }
0xbd: {  	[dreg:$0x2] =	wrdreg s24  }
0xbe: {  	[dreg:$0x3] =	wrdreg $0x82000  }
0xbf: {  	[dreg:$0x4] =	wrdreg $0xA  }
0xc0: {  	_ =	task.clear_ibuf [dreg:s22], $0x5FFFF;
	_ =	strace $0x9000004C  }
0xc1: {  	s29 =	simm.s32 $0xA;
	_ =	strace $0x8000004E  }
0xc2: {  	_ =	swait.ge [sflag:s29], $0x1  }
0xc3: {  	[sflag:s29] =	ssyncadd.s32 $0xFFFFFFFF  }
0xc4: {  	_ =	strace $0x9000004E  }
0xc5: {  	_ =	sfence  }
0xc6: {  	s30 =	sld [smem:$0x0];
	_ =	sdelay $0x2  }
0xc7: {  	s31 =	sshll.u32 s1, $0xD;
	s1 =	sshrl.u32 s1, $0x2  }
0xc8: {  	s4 =	sand.u32 $0x4000, s31;
	s1 =	sadd.s32 s1, s30  }
0xc9: {  	s0 =	sor.u32 s4, s0;
	s1 =	sshll.u32 s1, $0x11  }
0xca: {  	s0 =	sor.u32 s1, s0  }
0xcb: {  	s0 =	sadd.s32 $0x8F2B, s0  }
0xcc: {  	[sflag:s0] =	ssyncadd.remote.s32 $0x1  }
0xcd: {  	_ =	sfence.sel $0xFFFF  }
0xce: {  	[dreg:$0x0] =	wrdreg $0xFFFFFFFF;
	(pc) =	sbr.abs _section_cstart, $3  }
0xcf: {  	[dreg:$0x1] =	wrdreg $0xFFFFFFFF  }
0xd0: {  	_ =	task.clear_ibuf [dreg:s22], $0x2FFFF;
	_ =	strace $0x9FFFFFFF  }
0xd1: {  	(tm) =	ssettm $0x7FFFFFFF  }
tec
execute0_lowered:
.L_overlay_start_1:
0x0: {  	(tag) =	ssettag $0x1  }
0x1: {  	s5 =	rddreg [dreg:$0x0]  }
0x2: {  	s1 =	rddreg [dreg:$0x1]  }
0x3: {  	s2 =	srdreg.scid;
	s0 =	rddreg [dreg:$0x2]  }
0x4: {  	s3 =	simm.s32 $0x0;
	s14 =	simm.s32 $0x200;
	s15 =	simm.s32 $0x3  }
0x5: {  	s16 =	simm.s32 $0x80;
	s17 =	simm.s32 $0x100;
	s6 =	sand.u32 $0x1, s2  }
0x6: {  	s18 =	simm.s32 $0x180;
	s2 =	stileid.u32;
	s20 =	smul.u32 $0x2800, s6  }
0x7: {  	s19 =	simm.s32 $0x4200;
	s21 =	simm.s32 $0x2;
	s7 =	smul.u32 $0x280, s2  }
0x8: {  	s22 =	simm.s32 $0x0;
	[smem:$0x7FF] =	sst s3;
	s8 =	smul.u32 $0x9E0, s2  }
0x9: {  	s4 =	sadd.s32 $0x7A200, s5;
	s6 =	ssub.s32 $0x2, s6;
	s9 =	smul.u32 $0x50000, s2  }
0xa: {  	_ =	strace $0x8000004D;
	s30 =	sshrl.u32 s6, $0x1;
	s7 =	sadd.s32 s7, s20  }
0xb: {  	s13 =	sadd.s32 s8, s5;
	s8 =	ssub.s32 s6, s30;
	s31 =	sshrl.u32 s9, $0x2  }
0xc: {  	v0 =	vmov s20;
	s20 =	simm.s32 $0x1;
	s7 =	sshll.u32 s7, $0x4;
	s12 =	sadd.s32 $0x70400, s13  }
0xd: {  	s13 =	sadd.s32 $0x66600, s13;
	s7 =	sadd.s32 s7, s5;
	s5 =	sadd.s32 s31, s1  }
0xe: {  	s6 =	sadd.s32 $0x11A200, s7;
	s7 =	smax.u32 s8, $0x1;
	s8 =	sadd.s32 $0x4000, s5  }
0xf: {  	v1 =	vimm.f32 $0.0e+00;
	s9 =	sadd.s32 $0x8000, s5;
	s10 =	sadd.s32 $0xC000, s5;
	s11 =	sadd.s32 $0x10000, s5  }
.LBB2_1:
0x10: {  	s23 =	simm.s32 $0x0;
	s24 =	simm.s32 $0x200  }
.LBB2_2:
0x11: {  	p0 =	sne.s32 s24, $0xFE00;
	[tilespmem:s23+$0x270] =	vst v1  }
0x12: {  	[tilespmem:s23+$0x200] =	vst v1  }
0x13: {  	[tilespmem:s23+$0x210] =	vst v1  }
.Ltmp0:
0x14: {  	[tilespmem:s23+$0x220] =	vst v1;
	(pc) =	sbr.rel @p0 .LBB2_2-.Ltmp0, $4  }
0x15: {  	[tilespmem:s23+$0x230] =	vst v1  }
0x16: {  	[tilespmem:s23+$0x240] =	vst v1  }
0x17: {  	[tilespmem:s23+$0x250] =	vst v1  }
0x18: {  	[tilespmem:s23+$0x260] =	vst v1;
	s23 =	sshra.s32 s24, $0x2;
	s24 =	sadd.s32 $0x200, s24  }
0x19: {  	[tilespmem:s23+$0x270] =	vst v1  }
0x1a: {  	[tilespmem:s23+$0x200] =	vst v1  }
0x1b: {  	[tilespmem:s23+$0x210] =	vst v1  }
0x1c: {  	[tilespmem:s23+$0x220] =	vst v1  }
0x1d: {  	[tilespmem:s23+$0x230] =	vst v1  }
0x1e: {  	[tilespmem:s23+$0x240] =	vst v1  }
0x1f: {  	[tilespmem:s23+$0x250] =	vst v1  }
0x20: {  	[tilespmem:s23+$0x260] =	vst v1  }
0x21: {  	[spmem:s5] =	stream.linear.scatter [tilespmem:s14], [sflag:$0x3], $0x4000, $0x38;
	[tilespmem:$0x1C200] =	vst v63  }
0x22: {  	_ =	swait.ge [sflag:s15], $0x4000  }
0x23: {  	[sflag:s15] =	ssyncset.done $0x0  }
0x24: {  	[sflag:s15] =	ssyncadd.s32 $0xFFFFC000  }
0x25: {  	[spmem:s8] =	stream.linear.scatter [tilespmem:s14], [sflag:$0x3], $0x4000, $0x38;
	[tilespmem:$0x1C200] =	vst v63  }
0x26: {  	_ =	swait.ge [sflag:s15], $0x4000  }
0x27: {  	[sflag:s15] =	ssyncset.done $0x0  }
0x28: {  	[sflag:s15] =	ssyncadd.s32 $0xFFFFC000  }
0x29: {  	[spmem:s9] =	stream.linear.scatter [tilespmem:s14], [sflag:$0x3], $0x4000, $0x38;
	[tilespmem:$0x1C200] =	vst v63  }
0x2a: {  	_ =	swait.ge [sflag:s15], $0x4000  }
0x2b: {  	[sflag:s15] =	ssyncset.done $0x0  }
0x2c: {  	[sflag:s15] =	ssyncadd.s32 $0xFFFFC000  }
0x2d: {  	[spmem:s10] =	stream.linear.scatter [tilespmem:s14], [sflag:$0x3], $0x4000, $0x38;
	[tilespmem:$0x1C200] =	vst v63  }
0x2e: {  	_ =	swait.ge [sflag:s15], $0x4000  }
0x2f: {  	[sflag:s15] =	ssyncset.done $0x0  }
0x30: {  	[sflag:s15] =	ssyncadd.s32 $0xFFFFC000  }
0x31: {  	[spmem:s11] =	stream.linear.scatter [tilespmem:s14], [sflag:$0x3], $0x4000, $0x38;
	[tilespmem:$0x1C200] =	vst v63  }
0x32: {  	_ =	swait.ge [sflag:s15], $0x4000  }
0x33: {  	[sflag:s15] =	ssyncset.done $0x0  }
0x34: {  	[sflag:s15] =	ssyncadd.s32 $0xFFFFC000  }
0x35: {  	s30 =	sadd.s32 $0x0, s13;
	[bflag:$0x0] =	sbarrier.arrive $0xFFFF  }
0x36: {  	[tilespmem:s3], [sflag:$0x3] =	stream.linear.gather [hbm4b:s30+s3], $0x80, $0x38;
	[tilespmem:$0x1C200] =	vst v63  }
0x37: {  	_ =	swait.ge [sflag:s15], $0x80  }
0x38: {  	[sflag:s15] =	ssyncset.done $0x0  }
0x39: {  	s24 =	sadd.s32 $0x0, s12;
	[sflag:s15] =	ssyncadd.s32 $0xFFFFFF80  }
0x3a: {  	[tilespmem:s16], [sflag:$0x3] =	stream.linear.gather [hbm4b:s24+s3], $0x80, $0x38;
	[tilespmem:$0x1C200] =	vst v63  }
0x3b: {  	_ =	swait.ge [sflag:s15], $0x80  }
0x3c: {  	[sflag:s15] =	ssyncset.done $0x0  }
0x3d: {  	[sflag:s15] =	ssyncadd.s32 $0xFFFFFF80  }
0x3e: {  	v2 =	vld [tilespmem:$0x70]  }
0x3f: {  	v3 =	vld [tilespmem:$0x30]  }
0x40: {  	v4 =	vld [tilespmem:$0x10]  }
0x41: {  	v5 =	vld [tilespmem:$0x0]  }
0x42: {  	v6 =	vld [tilespmem:$0x40]  }
0x43: {  	v7 =	vld [tilespmem:$0x20];
	v2 =	vadd.s32 v0, v2  }
0x44: {  	v8 =	vld [tilespmem:$0x50];
	v3 =	vadd.s32 v0, v3;
	[tilespmem:$0x70] =	vst v2  }
0x45: {  	v2 =	vld [tilespmem:$0x60];
	[tilespmem:$0x30] =	vst v3;
	v3 =	vadd.s32 v0, v4  }
0x46: {  	v4 =	vadd.s32 v0, v5;
	[tilespmem:$0x10] =	vst v3  }
0x47: {  	[tilespmem:$0x0] =	vst v4;
	v3 =	vadd.s32 v0, v6  }
0x48: {  	v4 =	vadd.s32 v0, v7;
	[tilespmem:$0x40] =	vst v3  }
0x49: {  	[tilespmem:$0x20] =	vst v4;
	v3 =	vadd.s32 v0, v8  }
0x4a: {  	[tilespmem:$0x50] =	vst v3;
	v2 =	vadd.s32 v0, v2  }
0x4b: {  	[tilespmem:$0x60] =	vst v2  }
0x4c: {  	[tilespmem:s14], [sflag:$0x1] =	stream.indirect.gather [hbm4b:s4+s16], $0x80, s3, s16, $0xb8;
	[tilespmem:$0x1C200] =	vst v63  }
0x4d: {  	s23 =	sadd.s32 $0x10, s30  }
0x4e: {  	[tilespmem:s17], [sflag:$0x3] =	stream.linear.gather [hbm4b:s23+s3], $0x80, $0x38;
	[tilespmem:$0x1C200] =	vst v63  }
0x4f: {  	_ =	swait.ge [sflag:s15], $0x80  }
0x50: {  	[sflag:s15] =	ssyncset.done $0x0  }
0x51: {  	s31 =	sadd.s32 $0x10, s24;
	[sflag:s15] =	ssyncadd.s32 $0xFFFFFF80  }
0x52: {  	[tilespmem:s18], [sflag:$0x3] =	stream.linear.gather [hbm4b:s31+s3], $0x80, $0x38;
	[tilespmem:$0x1C200] =	vst v63  }
0x53: {  	_ =	swait.ge [sflag:s15], $0x80  }
0x54: {  	[sflag:s15] =	ssyncset.done $0x0  }
0x55: {  	[sflag:s15] =	ssyncadd.s32 $0xFFFFFF80  }
0x56: {  	v2 =	vld [tilespmem:$0x100]  }
0x57: {  	v3 =	vld [tilespmem:$0x110]  }
0x58: {  	v4 =	vld [tilespmem:$0x120]  }
0x59: {  	v5 =	vld [tilespmem:$0x130]  }
0x5a: {  	v62 =	vld [tilespmem:$0x150]  }
0x5b: {  	v2 =	vadd.s32 v0, v2  }
0x5c: {  	[tilespmem:$0x100] =	vst v2;
	v2 =	vadd.s32 v0, v3  }
0x5d: {  	[tilespmem:$0x110] =	vst v2;
	v2 =	vadd.s32 v0, v4  }
0x5e: {  	v63 =	vld [tilespmem:$0x140];
	[tilespmem:$0x120] =	vst v2;
	v2 =	vadd.s32 v0, v5  }
0x5f: {  	v3 =	vld [tilespmem:$0x160];
	[tilespmem:$0x130] =	vst v2;
	v2 =	vadd.s32 v0, v62  }
0x60: {  	[tilespmem:$0x150] =	vst v2;
	v2 =	vld [tilespmem:$0x170];
	_ =	sdelay $0x2  }
0x61: {  	v4 =	vadd.s32 v0, v63  }
0x62: {  	s23 =	simm.s32 $0x20;
	[tilespmem:$0x140] =	vst v4;
	v3 =	vadd.s32 v0, v3  }
.LBB2_4:
0x63: {  	p0 =	sne.s32 s23, $0x9C0;
	[tilespmem:$0x160] =	vst v3;
	v2 =	vadd.s32 v0, v2;
	s24 =	smov.u32 s23;
	s23 =	sadd.s32 $0x20, s23  }
0x64: {  	[tilespmem:$0x170] =	vst v2  }
0x65: {  	[tilespmem:s19], [sflag:$0x2] =	stream.indirect.gather [hbm4b:s4+s16], $0x80, s17, s16, $0xb8;
	[tilespmem:$0x1C200] =	vst v63  }
0x66: {  	_ =	swait.ge [sflag:s20], $0x4000  }
0x67: {  	[sflag:s20] =	ssyncset.done $0x0  }
0x68: {  	[sflag:s20] =	ssyncadd.s32 $0xFFFFC000  }
0x69: {  	[spmem:s1] =	stream.indirect.scatter.add.f32 [tilespmem:s14], [sflag:$0x3], $0x80, s16, s16, $0xb8;
	[tilespmem:$0x1C200] =	vst v63  }
0x6a: {  	_ =	swait.ge [sflag:s15], $0x4000  }
0x6b: {  	[sflag:s15] =	ssyncset.done $0x0  }
0x6c: {  	[sflag:s15] =	ssyncadd.s32 $0xFFFFC000  }
0x6d: {  	_ =	swait.ge [sflag:s21], $0x4000  }
0x6e: {  	[sflag:s21] =	ssyncset.done $0x0  }
0x6f: {  	[sflag:s21] =	ssyncadd.s32 $0xFFFFC000  }
0x70: {  	[spmem:s1] =	stream.indirect.scatter.add.f32 [tilespmem:s19], [sflag:$0x3], $0x80, s18, s16, $0xb8;
	[tilespmem:$0x1C200] =	vst v63  }
0x71: {  	_ =	swait.ge [sflag:s15], $0x4000  }
0x72: {  	[sflag:s15] =	ssyncset.done $0x0  }
0x73: {  	s25 =	sadd.s32 s24, s13;
	[sflag:s15] =	ssyncadd.s32 $0xFFFFC000  }
0x74: {  	[tilespmem:s3], [sflag:$0x3] =	stream.linear.gather [hbm4b:s25+s3], $0x80, $0x38;
	[tilespmem:$0x1C200] =	vst v63  }
0x75: {  	_ =	swait.ge [sflag:s15], $0x80  }
0x76: {  	[sflag:s15] =	ssyncset.done $0x0  }
0x77: {  	s24 =	sadd.s32 s24, s12;
	[sflag:s15] =	ssyncadd.s32 $0xFFFFFF80  }
0x78: {  	[tilespmem:s16], [sflag:$0x3] =	stream.linear.gather [hbm4b:s24+s3], $0x80, $0x38;
	[tilespmem:$0x1C200] =	vst v63  }
0x79: {  	_ =	swait.ge [sflag:s15], $0x80  }
0x7a: {  	[sflag:s15] =	ssyncset.done $0x0  }
0x7b: {  	[sflag:s15] =	ssyncadd.s32 $0xFFFFFF80  }
0x7c: {  	v2 =	vld [tilespmem:$0x70]  }
0x7d: {  	v3 =	vld [tilespmem:$0x30]  }
0x7e: {  	v4 =	vld [tilespmem:$0x50]  }
0x7f: {  	v5 =	vld [tilespmem:$0x20]  }
0x80: {  	v6 =	vld [tilespmem:$0x10]  }
0x81: {  	v7 =	vld [tilespmem:$0x0];
	v2 =	vadd.s32 v0, v2  }
0x82: {  	v3 =	vadd.s32 v0, v3;
	v8 =	vld [tilespmem:$0x40];
	[tilespmem:$0x70] =	vst v2  }
0x83: {  	[tilespmem:$0x30] =	vst v3  }
0x84: {  	v2 =	vld [tilespmem:$0x60]  }
0x85: {  	v3 =	vadd.s32 v0, v6  }
0x86: {  	v6 =	vadd.s32 v0, v7;
	[tilespmem:$0x10] =	vst v3;
	v3 =	vadd.s32 v0, v5  }
0x87: {  	v4 =	vadd.s32 v0, v4;
	[tilespmem:$0x0] =	vst v6;
	v5 =	vadd.s32 v0, v8  }
0x88: {  	[tilespmem:$0x40] =	vst v5  }
0x89: {  	[tilespmem:$0x20] =	vst v3;
	v2 =	vadd.s32 v0, v2  }
0x8a: {  	[tilespmem:$0x60] =	vst v2  }
0x8b: {  	[tilespmem:$0x50] =	vst v4  }
0x8c: {  	[tilespmem:s14], [sflag:$0x1] =	stream.indirect.gather [hbm4b:s4+s16], $0x80, s3, s16, $0xb8;
	[tilespmem:$0x1C200] =	vst v63  }
0x8d: {  	s25 =	sadd.s32 $0x10, s25  }
0x8e: {  	[tilespmem:s17], [sflag:$0x3] =	stream.linear.gather [hbm4b:s25+s3], $0x80, $0x38;
	[tilespmem:$0x1C200] =	vst v63  }
0x8f: {  	_ =	swait.ge [sflag:s15], $0x80  }
0x90: {  	[sflag:s15] =	ssyncset.done $0x0  }
0x91: {  	s24 =	sadd.s32 $0x10, s24;
	[sflag:s15] =	ssyncadd.s32 $0xFFFFFF80  }
0x92: {  	[tilespmem:s18], [sflag:$0x3] =	stream.linear.gather [hbm4b:s24+s3], $0x80, $0x38;
	[tilespmem:$0x1C200] =	vst v63  }
0x93: {  	_ =	swait.ge [sflag:s15], $0x80  }
0x94: {  	[sflag:s15] =	ssyncset.done $0x0  }
0x95: {  	[sflag:s15] =	ssyncadd.s32 $0xFFFFFF80  }
0x96: {  	v2 =	vld [tilespmem:$0x100]  }
0x97: {  	v3 =	vld [tilespmem:$0x110]  }
0x98: {  	v4 =	vld [tilespmem:$0x120]  }
0x99: {  	v5 =	vld [tilespmem:$0x130]  }
0x9a: {  	v6 =	vld [tilespmem:$0x150]  }
0x9b: {  	v2 =	vadd.s32 v0, v2;
	v7 =	vld [tilespmem:$0x140]  }
0x9c: {  	[tilespmem:$0x100] =	vst v2;
	v2 =	vadd.s32 v0, v3;
	v3 =	vld [tilespmem:$0x160]  }
.Ltmp1:
0x9d: {  	[tilespmem:$0x110] =	vst v2;
	v4 =	vadd.s32 v0, v4;
	v2 =	vld [tilespmem:$0x170];
	(pc) =	sbr.rel @p0 .LBB2_4-.Ltmp1, $4  }
0x9e: {  	[tilespmem:$0x120] =	vst v4;
	v4 =	vadd.s32 v0, v5  }
0x9f: {  	[tilespmem:$0x130] =	vst v4;
	v4 =	vadd.s32 v0, v6  }
0xa0: {  	v5 =	vadd.s32 v0, v7;
	[tilespmem:$0x150] =	vst v4  }
0xa1: {  	[tilespmem:$0x140] =	vst v5;
	v3 =	vadd.s32 v0, v3  }
0xa2: {  	[tilespmem:$0x160] =	vst v3;
	v2 =	vadd.s32 v0, v2  }
0xa3: {  	[tilespmem:$0x170] =	vst v2  }
0xa4: {  	[tilespmem:s19], [sflag:$0x2] =	stream.indirect.gather [hbm4b:s4+s16], $0x80, s17, s16, $0xb8;
	[tilespmem:$0x1C200] =	vst v63  }
0xa5: {  	_ =	swait.ge [sflag:s20], $0x4000  }
0xa6: {  	[sflag:s20] =	ssyncset.done $0x0  }
0xa7: {  	[sflag:s20] =	ssyncadd.s32 $0xFFFFC000  }
0xa8: {  	[spmem:s1] =	stream.indirect.scatter.add.f32 [tilespmem:s14], [sflag:$0x3], $0x80, s16, s16, $0xb8;
	[tilespmem:$0x1C200] =	vst v63  }
0xa9: {  	_ =	swait.ge [sflag:s15], $0x4000  }
0xaa: {  	[sflag:s15] =	ssyncset.done $0x0  }
0xab: {  	[sflag:s15] =	ssyncadd.s32 $0xFFFFC000  }
0xac: {  	_ =	swait.ge [sflag:s21], $0x4000  }
0xad: {  	[sflag:s21] =	ssyncset.done $0x0  }
0xae: {  	[sflag:s21] =	ssyncadd.s32 $0xFFFFC000  }
0xaf: {  	[spmem:s1] =	stream.indirect.scatter.add.f32 [tilespmem:s19], [sflag:$0x3], $0x80, s18, s16, $0xb8;
	[tilespmem:$0x1C200] =	vst v63  }
0xb0: {  	_ =	swait.ge [sflag:s15], $0x4000  }
0xb1: {  	s23 =	sshll.u32 s2, $0x6;
	s22 =	sadd.s32 $0x1, s22;
	[sflag:s15] =	ssyncset.done $0x0  }
0xb2: {  	s24 =	sshrl.u32 s5, $0x3;
	p0 =	sne.s32 s22, s7;
	[sflag:s15] =	ssyncadd.s32 $0xFFFFC000  }
.Ltmp2:
0xb3: {  	s23 =	sor.u32 $0x1C03, s23;
	[bflag:$0x0] =	sbarrier.arrive $0xFFFF;
	(pc) =	sbr.rel @p0 .LBB2_1-.Ltmp2, $4  }
0xb4: {  	[hbm:s6], [sflag:s23] =	dma.local [spmem:s24], $0x2800  }
0xb5: {  	_ =	swait.ge [sflag:s15], $0x2800  }
0xb6: {  	[sflag:s15] =	ssyncset.done $0x0  }
0xb7: {  	[sflag:s15] =	ssyncadd.s32 $0xFFFFD800  }
0xb8: {  	_ =	sfence.sel $0x180000  }
0xb9: {  	[bflag:$0x0] =	sbarrier.arrive $0xFFFF  }
0xba: {  	p0 =	sne.s32 s2, $0x0;
	_ =	strace $0x9000004D  }
0xbb: {  	s0 =	sadd.s32 @!p0 $0x100000, s0;
	[bflag:$0x2] =	sbarrier.arrive $0xFFFF  }
0xbc: {  	[sflag:s0] =	ssyncadd.tile.s32 @!p0 $0x1;
	_ =	shalt  }
.Lfunc_end2:
_tile_overlayer_lowered:
.L_overlay_start_2:
0xbd: {  	(tag) =	ssettag $0x2  }
0xbe: {  	s0 =	rddreg [dreg:$0x0];
	s2 =	stileid.u32  }
0xbf: {  	s1 =	rddreg [dreg:$0x1];
	p0 =	sne.s32 s2, $0x0  }
0xc0: {  	s3 =	rddreg [dreg:$0x2];
	[bflag:$0x3] =	sbarrier.arrive $0xFFFF;
	s2 =	simm.s32 @!p0 $0x1C03  }
0xc1: {  	[timem:s3], [sflag:s2] =	dma.local @!p0 [hbm:s0], s1  }
0xc2: {  	s0 =	simm.s32 @!p0 $0x3  }
0xc3: {  	_ =	swait.ge @!p0 [sflag:s0], s1  }
0xc4: {  	s1 =	ssub.s32 @!p0 $0x0, s1;
	[sflag:s0] =	ssyncset.done @!p0 $0x0  }
0xc5: {  	[sflag:s0] =	ssyncadd.s32 @!p0 s1  }
0xc6: {  	[bflag:$0x3] =	sbarrier.arrive $0xFFFF  }
0xc7: {  	_ =	shalt  }

// kernel: kernel.7.cloned.1.call-start
scs
__scs_entry_jumppad:
0x0: {  	(pc) =	sbr.rel $0x88, $3  }
0x1: {  	(tag) =	ssettag $0x0;
	lr =	simm.s32 $0x1  }
0x2: {  	[smem:$0x3F98] =	sst lr;
	_ =	strace $0xD0000000  }
0x3: {  	_ = 	snop  }
0x4: {  	_ = 	snop  }
0x5: {  	_ = 	snop  }
0x6: {  	_ = 	snop  }
0x7: {  	_ = 	snop  }
__scs_overlays_trampoline_lowered:
0x8: {  	[smem:$0x3FA7] =	sst s0  }
0x9: {  	[smem:$0x3FA8] =	sst s1  }
0xa: {  	[smem:$0x3FA9] =	sst s2  }
0xb: {  	[smem:$0x3FAA] =	sst s3  }
0xc: {  	[smem:$0x3FAB] =	sst s4  }
0xd: {  	[smem:$0x3FAC] =	sst s5  }
0xe: {  	[smem:$0x3FAD] =	sst s6  }
0xf: {  	[smem:$0x3FAE] =	sst s7  }
0x10: {  	[smem:$0x3FAF] =	sst s8  }
0x11: {  	[smem:$0x3FB0] =	sst s9;
	s0 =	simm.s32 @!p0 $0x0  }
0x12: {  	s1 =	sld [smem:$0x3F96];
	s0 =	simm.s32 @p0 $0x1  }
0x13: {  	[smem:$0x3FB1] =	sst s0;
	s0 =	simm.s32 @!p1 $0x0  }
0x14: {  	s2 =	sld [smem:$0x3F95];
	s0 =	simm.s32 @p1 $0x1  }
0x15: {  	[smem:$0x3FB2] =	sst s0;
	s0 =	simm.s32 @!p2 $0x0  }
0x16: {  	s3 =	sld [smem:$0x3FDB];
	s0 =	simm.s32 @p2 $0x1  }
0x17: {  	s4 =	simm.s32 $0x1BF5;
	[smem:$0x3FB4] =	sst s0  }
0x18: {  	s0 =	sld [smem:$0x3F97];
	_ =	swait.ge [sflag:s4], $0x0  }
0x19: {  	s7 =	sld [smem:$0x3F98]  }
0x1a: {  	s8 =	sadd.s32 $0xFFFFE003, lr  }
0x1b: {  	s9 =	sadd.s32 $0xFFFFFEF7, lr;
	s5 =	simm.s32 $0xFFFFFFFF;
	p2 =	slt.u32 s8, $0xFFFFF086  }
0x1c: {  	p1 =	slt.u32 s9, $0xF7A;
	s5 =	simm.s32 @!p2 $0x0  }
0x1d: {  	s5 =	simm.s32 @p1 $0x1;
	p0 =	seq.s32 s7, s2  }
0x1e: {  	s7 =	smul.u32 @!p0 $0xF7A, s2;
	p2 =	seq.s32 @!p0 s5, $0x0  }
0x1f: {  	s9 =	smul.u32 $0xF7A, s1;
	s8 =	simm.s32 @!p0 $0x1BF5;
	p2 =	por !p2, p0  }
0x20: {  	[sflag:s8] =	ssyncset.s32 @!p0 $0xFFFFF086;
	s6 =	sadd.s32 @!p0 s3, s7;
	s7 =	simm.s32 @!p0 $0x108  }
0x21: {  	s3 =	sadd.s32 s3, s9;
	s6 =	sadd.s32 @!p0 $0x88, s6;
	s7 =	simm.s32 @p2 $0x1082  }
0x22: {  	[simem:s7], [sflag:s8] =	dma.local @!p0 [hbm:s6], $0xF7A  }
0x23: {  	s9 =	sor.u32 $0xD0000000, s2;
	s6 =	simm.s32 $0x108;
	_ =	swait.ge @!p0 [sflag:s8], $0x0  }
0x24: {  	s3 =	sadd.s32 $0x88, s3;
	s6 =	simm.s32 @!p1 $0x1082;
	[sflag:s4] =	ssyncset.s32 $0xFFFFF086  }
0x25: {  	[simem:s6], [sflag:s4] =	dma.local [hbm:s3], $0xF7A  }
0x26: {  	[smem:$0x3F98] =	sst s1;
	(tag) =	ssettag s2;
	_ =	strace s9  }
0x27: {  	s1 =	sld [smem:$0x3FA8]  }
0x28: {  	s2 =	sld [smem:$0x3FA9]  }
0x29: {  	s4 =	sld [smem:$0x3FAB]  }
0x2a: {  	p0 =	seq.s32 s5, $0x0;
	s5 =	sld [smem:$0x3FAC]  }
0x2b: {  	s6 =	sld [smem:$0x3FAD]  }
0x2c: {  	s7 =	sld [smem:$0x3FAE]  }
0x2d: {  	s3 =	simm.s32 $0x108;
	s8 =	sld [smem:$0x3FAF]  }
0x2e: {  	s3 =	simm.s32 @!p0 $0x1082;
	s9 =	sld [smem:$0x3FB0]  }
0x2f: {  	lr =	sadd.s32 s0, s3;
	s0 =	sld [smem:$0x3FA7]  }
0x30: {  	s3 =	sld [smem:$0x3FAA]  }
0x31: {  	[smem:$0x3FB3] =	sst s10  }
0x32: {  	s10 =	sld [smem:$0x3FB1];
	_ =	sdelay $0x3  }
0x33: {  	p0 =	seq.s32 s10, $0x1;
	s10 =	sld [smem:$0x3FB3];
	_ =	sdelay $0x3  }
0x34: {  	[smem:$0x3FB3] =	sst s10  }
0x35: {  	s10 =	sld [smem:$0x3FB2];
	_ =	sdelay $0x3  }
0x36: {  	p1 =	seq.s32 s10, $0x1;
	s10 =	sld [smem:$0x3FB3];
	_ =	sdelay $0x3  }
0x37: {  	[smem:$0x3FB3] =	sst s10  }
0x38: {  	s10 =	sld [smem:$0x3FB4]  }
0x39: {  	_ = 	snop;
	(pc) =	sbr.ind lr, $3  }
0x3a: {  	_ = 	snop  }
0x3b: {  	_ = 	snop  }
0x3c: {  	p2 =	seq.s32 s10, $0x1;
	s10 =	sld [smem:$0x3FB3]  }
0x3d: {  	_ =	shalt  }
0x3e: {  	_ =	shalt  }
0x3f: {  	_ =	shalt  }
0x40: {  	_ =	shalt  }
0x41: {  	_ =	shalt  }
0x42: {  	_ =	shalt  }
0x43: {  	_ =	shalt  }
0x44: {  	_ =	shalt  }
0x45: {  	_ =	shalt  }
0x46: {  	_ =	shalt  }
0x47: {  	_ =	shalt  }
0x48: {  	_ =	shalt  }
0x49: {  	_ =	shalt  }
0x4a: {  	_ =	shalt  }
0x4b: {  	_ =	shalt  }
0x4c: {  	_ =	shalt  }
0x4d: {  	_ =	shalt  }
0x4e: {  	_ =	shalt  }
0x4f: {  	_ =	shalt  }
0x50: {  	_ =	shalt  }
0x51: {  	_ =	shalt  }
0x52: {  	_ =	shalt  }
0x53: {  	_ =	shalt  }
0x54: {  	_ =	shalt  }
0x55: {  	_ =	shalt  }
0x56: {  	_ =	shalt  }
0x57: {  	_ =	shalt  }
0x58: {  	_ =	shalt  }
0x59: {  	_ =	shalt  }
0x5a: {  	_ =	shalt  }
0x5b: {  	_ =	shalt  }
0x5c: {  	_ =	shalt  }
0x5d: {  	_ =	shalt  }
0x5e: {  	_ =	shalt  }
0x5f: {  	_ =	shalt  }
0x60: {  	_ =	shalt  }
0x61: {  	_ =	shalt  }
0x62: {  	_ =	shalt  }
0x63: {  	_ =	shalt  }
0x64: {  	_ =	shalt  }
0x65: {  	_ =	shalt  }
0x66: {  	_ =	shalt  }
0x67: {  	_ =	shalt  }
0x68: {  	_ =	shalt  }
0x69: {  	_ =	shalt  }
0x6a: {  	_ =	shalt  }
0x6b: {  	_ =	shalt  }
0x6c: {  	_ =	shalt  }
0x6d: {  	_ =	shalt  }
0x6e: {  	_ =	shalt  }
0x6f: {  	_ =	shalt  }
0x70: {  	_ =	shalt  }
0x71: {  	_ =	shalt  }
0x72: {  	_ =	shalt  }
0x73: {  	_ =	shalt  }
0x74: {  	_ =	shalt  }
0x75: {  	_ =	shalt  }
0x76: {  	_ =	shalt  }
0x77: {  	_ =	shalt  }
0x78: {  	_ =	shalt  }
0x79: {  	_ =	shalt  }
0x7a: {  	_ =	shalt  }
0x7b: {  	_ =	shalt  }
0x7c: {  	_ =	shalt  }
0x7d: {  	_ =	shalt  }
0x7e: {  	_ =	shalt  }
0x7f: {  	_ =	shalt  }
0x80: {  	_ =	shalt  }
0x81: {  	_ =	shalt  }
0x82: {  	_ =	shalt  }
0x83: {  	_ =	shalt  }
0x84: {  	_ =	shalt  }
0x85: {  	_ =	shalt  }
0x86: {  	_ =	shalt  }
0x87: {  	_ =	shalt  }
.Lfunc_end0:
.L_simem_size_0:
called_computation_lowered:
.L_overlay_start_0:
0x88: {  	s2 =	sld [smem:$0x3FD9]  }
0x89: {  	s3 =	sld [smem:$0x3FFE];
	_ =	sdelay $0x1  }
0x8a: {  	s1 =	srdreg.scid  }
0x8b: {  	s0 =	sand.u32 $0x1, s1  }
0x8c: {  	s16 =	sshll.u32 s0, $0xA;
	s2 =	sadd.s32 s3, s2  }
0x8d: {  	s2 =	sadd.s32 s2, s16  }
0x8e: {  	[smem:$0x3FBF] =	sst s2  }
0x8f: {  	_ = 	snop  }
0x90: {  	(tm) =	ssettm $0x1  }
0x91: {  	s17 =	sld [smem:$0x3FFB];
	_ =	sdelay $0x3  }
0x92: {  	_ =	strace s17  }
0x93: {  	s2 =	sld [smem:$0x3FFC];
	_ =	sdelay $0x3  }
0x94: {  	_ =	strace s2  }
0x95: {  	s2 =	sld [smem:$0x3FFD];
	_ =	sdelay $0x3  }
0x96: {  	_ =	strace s2  }
0x97: {  	_ =	strace $0x8FFFFFFF  }
0x98: {  	s18 =	sld [smem:$0x3FDB];
	_ =	sdelay $0x1  }
0x99: {  	s19 =	simm.s32 $_scs_section_size  }
0x9a: {  	s4 =	simm.s32 $_size__tile_overlayer_lowered;
	s5 =	simm.s32 $_tile_overlayer_lowered  }
0x9b: {  	s22 =	simm.s32 $0x1BFF;
	s21 =	sshll.u32 s5, $0x1;
	s2 =	sadd.s32 s19, s18  }
0x9c: {  	s6 =	simm.s32 $0x0;
	s20 =	sshll.u32 s4, $0x1;
	s4 =	sadd.s32 s21, s2  }
0x9d: {  	[timem:s6], [sflag:s22] =	dma.local [hbm:s4], s20  }
0x9e: {  	_ =	swait.ge [sflag:s22], s20  }
0x9f: {  	s3 =	ssub.s32 $0x0, s20;
	[sflag:s22] =	ssyncset.done $0x0  }
0xa0: {  	[sflag:s22] =	ssyncadd.s32 s3;
	_ =	sdelay $0x1  }
0xa1: {  	s23 =	simm.s32 $0x1B8B  }
0xa2: {  	_ =	swait.ge [sflag:s23], $0x1  }
0xa3: {  	[sflag:s23] =	ssyncset.done $0x0  }
0xa4: {  	s25 =	simm.s32 $0x1B8E;
	s24 =	sld [smem:$0x3FFE];
	[sflag:s23] =	ssyncadd.s32 $0xFFFFFFFF  }
0xa5: {  	s26 =	simm.s32 $execute0_lowered;
	[smem:$0x3FD2] =	sst s25  }
0xa6: {  	s4 =	sshll.u32 s26, $0x1;
	_ =	strace $0x80000046;
	[dreg:$0x1] =	wrdreg $0xFFFFFFFF  }
0xa7: {  	s28 =	simm.s32 $_size_execute0_lowered;
	s2 =	sadd.s32 s2, s4;
	[dreg:$0x0] =	wrdreg $0x0  }
0xa8: {  	s4 =	sshll.u32 s28, $0x1;
	[dreg:$0x2] =	wrdreg s2  }
0xa9: {  	[dreg:$0x3] =	wrdreg s4  }
0xaa: {  	[dreg:$0x4] =	wrdreg $0xC0  }
0xab: {  	_ =	task [dreg:s6], $0x5FFFF  }
0xac: {  	[dreg:$0x1] =	wrdreg $0xFFFFFFFF  }
0xad: {  	[dreg:$0x0] =	wrdreg $0x60  }
0xae: {  	[dreg:$0x2] =	wrdreg s24  }
0xaf: {  	[dreg:$0x3] =	wrdreg $0x80800  }
0xb0: {  	[dreg:$0x4] =	wrdreg $0x9  }
0xb1: {  	_ =	task.clear_ibuf [dreg:s6], $0x5FFFF;
	_ =	strace $0x90000046  }
0xb2: {  	s29 =	simm.s32 $0x9;
	_ =	strace $0x80000048  }
0xb3: {  	_ =	swait.ge [sflag:s29], $0x1  }
0xb4: {  	[sflag:s29] =	ssyncadd.s32 $0xFFFFFFFF  }
0xb5: {  	_ =	strace $0x90000048  }
0xb6: {  	_ =	sfence  }
0xb7: {  	s30 =	sld [smem:$0x0];
	_ =	sdelay $0x2  }
0xb8: {  	s31 =	sshll.u32 s1, $0xD;
	s1 =	sshrl.u32 s1, $0x2  }
0xb9: {  	s3 =	sand.u32 $0x4000, s31;
	s1 =	sadd.s32 s1, s30  }
0xba: {  	s0 =	sor.u32 s3, s0;
	s1 =	sshll.u32 s1, $0x11  }
0xbb: {  	s0 =	sor.u32 s1, s0  }
0xbc: {  	s0 =	sadd.s32 $0x8F2B, s0  }
0xbd: {  	[sflag:s0] =	ssyncadd.remote.s32 $0x1  }
0xbe: {  	_ =	sfence.sel $0xFFFF  }
0xbf: {  	[dreg:$0x0] =	wrdreg $0xFFFFFFFF;
	(pc) =	sbr.abs _section_cstart, $3  }
0xc0: {  	[dreg:$0x1] =	wrdreg $0xFFFFFFFF  }
0xc1: {  	_ =	task.clear_ibuf [dreg:s6], $0x2FFFF;
	_ =	strace $0x9FFFFFFF  }
0xc2: {  	(tm) =	ssettm $0x7FFFFFFF  }
0xc3: {  	_ =	shalt  }
tec
execute0_lowered:
.L_overlay_start_1:
0x0: {  	(tag) =	ssettag $0x1  }
0x1: {  	s4 =	rddreg [dreg:$0x0];
	s0 =	srdreg.scid  }
0x2: {  	s2 =	rddreg [dreg:$0x1];
	s1 =	stileid.u32;
	s3 =	simm.s32 $0x0  }
0x3: {  	s12 =	simm.s32 $0x4080;
	s13 =	simm.s32 $0x1;
	s7 =	smul.u32 $0x4F00, s1  }
0x4: {  	s14 =	simm.s32 $0x80;
	s17 =	simm.s32 $0x0;
	s28 =	smul.u32 $0x2800, s1  }
0x5: {  	s5 =	sand.u32 $0x1, s0;
	s0 =	rddreg [dreg:$0x2];
	s9 =	smul.u32 $0x50000, s1  }
0x6: {  	[smem:$0x7FF] =	sst s3;
	s15 =	sshll.u32 s1, $0x6;
	s6 =	smul.u32 $0x4F000, s5  }
0x7: {  	s8 =	smul.u32 $0x28000, s5;
	_ =	strace $0x80000047;
	s5 =	ssub.s32 $0x2, s5  }
0x8: {  	s15 =	sor.u32 $0x1C01, s15;
	s30 =	sshrl.u32 s5, $0x1;
	s6 =	sadd.s32 s7, s6  }
0x9: {  	s31 =	sshrl.u32 s9, $0x2;
	s29 =	sadd.s32 s28, s8;
	s6 =	sshrl.u32 s6, $0x3  }
0xa: {  	s7 =	ssub.s32 s5, s30;
	s11 =	sadd.s32 s6, s4;
	s6 =	sadd.s32 s29, s4  }
0xb: {  	s4 =	sadd.s32 s31, s2;
	s5 =	sadd.s32 $0x16600, s6;
	s6 =	smax.u32 s7, $0x1  }
0xc: {  	vm0 =	vcmask $0x300;
	v0 =	vimm.f32 $0.0e+00;
	s7 =	sadd.s32 $0x4000, s4;
	s8 =	sadd.s32 $0x8000, s4;
	s9 =	sadd.s32 $0xC000, s4  }
0xd: {  	v1 =	vsel vm0, $0x3F800000, v0;
	s10 =	sadd.s32 $0x10000, s4;
	s11 =	sadd.s32 $0x2A00, s11;
	s16 =	sshrl.u32 s4, $0x3  }
.LBB2_1:
0xe: {  	s18 =	simm.s32 $0x0;
	s19 =	simm.s32 $0x200  }
.LBB2_2:
0xf: {  	p0 =	sne.s32 s19, $0xFE00;
	[tilespmem:s18+$0x40F0] =	vst v0  }
0x10: {  	[tilespmem:s18+$0x80] =	vst v1  }
0x11: {  	[tilespmem:s18+$0x90] =	vst v0  }
0x12: {  	[tilespmem:s18+$0xA0] =	vst v0  }
0x13: {  	[tilespmem:s18+$0xB0] =	vst v0  }
0x14: {  	[tilespmem:s18+$0xC0] =	vst v0  }
0x15: {  	[tilespmem:s18+$0xD0] =	vst v0  }
0x16: {  	[tilespmem:s18+$0xE0] =	vst v0  }
0x17: {  	[tilespmem:s18+$0xF0] =	vst v0  }
0x18: {  	[tilespmem:s18+$0x4080] =	vst v0  }
0x19: {  	[tilespmem:s18+$0x4090] =	vst v0  }
.Ltmp0:
0x1a: {  	[tilespmem:s18+$0x40A0] =	vst v0;
	(pc) =	sbr.rel @p0 .LBB2_2-.Ltmp0, $4  }
0x1b: {  	[tilespmem:s18+$0x40B0] =	vst v0  }
0x1c: {  	[tilespmem:s18+$0x40C0] =	vst v0  }
0x1d: {  	[tilespmem:s18+$0x40D0] =	vst v0  }
0x1e: {  	[tilespmem:s18+$0x40E0] =	vst v0;
	s18 =	sshra.s32 s19, $0x2;
	s19 =	sadd.s32 $0x200, s19  }
0x1f: {  	[tilespmem:s18+$0x40F0] =	vst v0  }
0x20: {  	[tilespmem:s18+$0x80] =	vst v1  }
0x21: {  	[tilespmem:s18+$0x90] =	vst v0  }
0x22: {  	[tilespmem:s18+$0xA0] =	vst v0  }
0x23: {  	[tilespmem:s18+$0xB0] =	vst v0  }
0x24: {  	[tilespmem:s18+$0xC0] =	vst v0  }
0x25: {  	[tilespmem:s18+$0xD0] =	vst v0  }
0x26: {  	[tilespmem:s18+$0xE0] =	vst v0  }
0x27: {  	[tilespmem:s18+$0xF0] =	vst v0  }
0x28: {  	[tilespmem:s18+$0x4080] =	vst v0  }
0x29: {  	[tilespmem:s18+$0x4090] =	vst v0  }
0x2a: {  	[tilespmem:s18+$0x40A0] =	vst v0  }
0x2b: {  	[tilespmem:s18+$0x40B0] =	vst v0  }
0x2c: {  	[tilespmem:s18+$0x40C0] =	vst v0  }
0x2d: {  	[tilespmem:s18+$0x40D0] =	vst v0  }
0x2e: {  	[tilespmem:s18+$0x40E0] =	vst v0  }
0x2f: {  	[spmem:s4] =	stream.linear.scatter [tilespmem:s12], [sflag:$0x1], $0x4000, $0x38;
	[tilespmem:$0x1C080] =	vst v63  }
0x30: {  	_ =	swait.ge [sflag:s13], $0x4000  }
0x31: {  	[sflag:s13] =	ssyncset.done $0x0  }
0x32: {  	[sflag:s13] =	ssyncadd.s32 $0xFFFFC000  }
0x33: {  	[spmem:s7] =	stream.linear.scatter [tilespmem:s12], [sflag:$0x1], $0x4000, $0x38;
	[tilespmem:$0x1C080] =	vst v63  }
0x34: {  	_ =	swait.ge [sflag:s13], $0x4000  }
0x35: {  	[sflag:s13] =	ssyncset.done $0x0  }
0x36: {  	[sflag:s13] =	ssyncadd.s32 $0xFFFFC000  }
0x37: {  	[spmem:s8] =	stream.linear.scatter [tilespmem:s12], [sflag:$0x1], $0x4000, $0x38;
	[tilespmem:$0x1C080] =	vst v63  }
0x38: {  	_ =	swait.ge [sflag:s13], $0x4000  }
0x39: {  	[sflag:s13] =	ssyncset.done $0x0  }
0x3a: {  	[sflag:s13] =	ssyncadd.s32 $0xFFFFC000  }
0x3b: {  	[spmem:s9] =	stream.linear.scatter [tilespmem:s12], [sflag:$0x1], $0x4000, $0x38;
	[tilespmem:$0x1C080] =	vst v63  }
0x3c: {  	_ =	swait.ge [sflag:s13], $0x4000  }
0x3d: {  	[sflag:s13] =	ssyncset.done $0x0  }
0x3e: {  	[sflag:s13] =	ssyncadd.s32 $0xFFFFC000  }
0x3f: {  	[spmem:s10] =	stream.linear.scatter [tilespmem:s12], [sflag:$0x1], $0x4000, $0x38;
	[tilespmem:$0x1C080] =	vst v63  }
0x40: {  	_ =	swait.ge [sflag:s13], $0x4000  }
0x41: {  	[sflag:s13] =	ssyncset.done $0x0  }
0x42: {  	[sflag:s13] =	ssyncadd.s32 $0xFFFFC000  }
0x43: {  	s31 =	sadd.s32 $0x0, s11;
	[bflag:$0x0] =	sbarrier.arrive $0xFFFF  }
0x44: {  	[tilespmem:s3], [sflag:$0x1] =	stream.linear.gather [hbm4b:s31+s3], $0x80, $0x38;
	[tilespmem:$0x1C080] =	vst v63  }
0x45: {  	_ =	swait.ge [sflag:s13], $0x80  }
0x46: {  	[sflag:s13] =	ssyncset.done $0x0  }
0x47: {  	[sflag:s13] =	ssyncadd.s32 $0xFFFFFF80  }
0x48: {  	[spmem:s2] =	stream.indirect.scatter.add.f32 [tilespmem:s14], [sflag:$0x1], $0x80, s3, s14, $0xb8;
	[tilespmem:$0x1C080] =	vst v63  }
0x49: {  	_ =	swait.ge [sflag:s13], $0x4000  }
0x4a: {  	s18 =	simm.s32 $0x10;
	s19 =	simm.s32 $0x20;
	[sflag:s13] =	ssyncset.done $0x0  }
.LBB2_4:
0x4b: {  	s20 =	sadd.s32 s18, s11  }
0x4c: {  	[sflag:s13] =	ssyncadd.s32 $0xFFFFC000;
	s18 =	smov.u32 s19;
	s21 =	sadd.s32 $0x10, s19  }
0x4d: {  	[tilespmem:s3], [sflag:$0x1] =	stream.linear.gather [hbm4b:s20+s3], $0x80, $0x38;
	[tilespmem:$0x1C080] =	vst v63  }
0x4e: {  	p0 =	sne.s32 s19, $0x9D0;
	_ =	swait.ge [sflag:s13], $0x80  }
.Ltmp1:
0x4f: {  	[sflag:s13] =	ssyncset.done $0x0;
	(pc) =	sbr.rel @p0 .LBB2_4-.Ltmp1, $4  }
0x50: {  	[sflag:s13] =	ssyncadd.s32 $0xFFFFFF80  }
0x51: {  	[spmem:s2] =	stream.indirect.scatter.add.f32 [tilespmem:s14], [sflag:$0x1], $0x80, s3, s14, $0xb8;
	[tilespmem:$0x1C080] =	vst v63  }
0x52: {  	_ =	swait.ge [sflag:s13], $0x4000  }
0x53: {  	s19 =	smov.u32 s21;
	[sflag:s13] =	ssyncset.done $0x0  }
0x54: {  	s18 =	sadd.s32 s18, s11;
	[sflag:s13] =	ssyncadd.s32 $0xFFFFC000  }
0x55: {  	[tilespmem:s3], [sflag:$0x1] =	stream.linear.gather [hbm4b:s18+s3], $0x80, $0x38;
	[tilespmem:$0x1C080] =	vst v63  }
0x56: {  	_ =	swait.ge [sflag:s13], $0x80  }
0x57: {  	[sflag:s13] =	ssyncset.done $0x0  }
0x58: {  	[sflag:s13] =	ssyncadd.s32 $0xFFFFFF80  }
0x59: {  	[spmem:s2] =	stream.indirect.scatter.add.f32 [tilespmem:s14], [sflag:$0x1], $0x80, s3, s14, $0xb8;
	[tilespmem:$0x1C080] =	vst v63  }
0x5a: {  	_ =	swait.ge [sflag:s13], $0x4000  }
0x5b: {  	s17 =	sadd.s32 $0x1, s17;
	[sflag:s13] =	ssyncset.done $0x0  }
0x5c: {  	p0 =	sne.s32 s17, s6;
	[sflag:s13] =	ssyncadd.s32 $0xFFFFC000  }
.Ltmp2:
0x5d: {  	[bflag:$0x0] =	sbarrier.arrive $0xFFFF;
	(pc) =	sbr.rel @p0 .LBB2_1-.Ltmp2, $4  }
0x5e: {  	[hbm:s5], [sflag:s15] =	dma.local [spmem:s16], $0x2800  }
0x5f: {  	_ =	swait.ge [sflag:s13], $0x2800  }
0x60: {  	[sflag:s13] =	ssyncset.done $0x0  }
0x61: {  	[sflag:s13] =	ssyncadd.s32 $0xFFFFD800  }
0x62: {  	_ =	sfence.sel $0x180000  }
0x63: {  	[bflag:$0x0] =	sbarrier.arrive $0xFFFF  }
0x64: {  	p0 =	sne.s32 s1, $0x0;
	_ =	strace $0x90000047  }
0x65: {  	s0 =	sadd.s32 @!p0 $0x100000, s0;
	[bflag:$0x2] =	sbarrier.arrive $0xFFFF  }
0x66: {  	[sflag:s0] =	ssyncadd.tile.s32 @!p0 $0x1;
	_ =	shalt  }
.Lfunc_end2:
_tile_overlayer_lowered:
.L_overlay_start_2:
0x67: {  	(tag) =	ssettag $0x2  }
0x68: {  	s0 =	rddreg [dreg:$0x0];
	s2 =	stileid.u32  }
0x69: {  	s1 =	rddreg [dreg:$0x1];
	p0 =	sne.s32 s2, $0x0  }
0x6a: {  	s3 =	rddreg [dreg:$0x2];
	[bflag:$0x3] =	sbarrier.arrive $0xFFFF;
	s2 =	simm.s32 @!p0 $0x1C01  }
0x6b: {  	[timem:s3], [sflag:s2] =	dma.local @!p0 [hbm:s0], s1  }
0x6c: {  	s0 =	simm.s32 @!p0 $0x1  }
0x6d: {  	_ =	swait.ge @!p0 [sflag:s0], s1  }
0x6e: {  	s1 =	ssub.s32 @!p0 $0x0, s1;
	[sflag:s0] =	ssyncset.done @!p0 $0x0  }
0x6f: {  	[sflag:s0] =	ssyncadd.s32 @!p0 s1  }
0x70: {  	[bflag:$0x3] =	sbarrier.arrive $0xFFFF  }
0x71: {  	_ =	shalt  }

</sc_bundles>
